<compile_context>
chip_gen: v7x
topology: tpu7x:2x2x1
jax: 0.10.2.dev20260603
libtpu: 0.0.44.dev20260713+nightly
codegen_flags: <defaults>
</compile_context>

<pallas_src>
import functools

import jax
import jax.numpy as jnp
from jax import lax
from jax.experimental import pallas as pl
from jax.experimental.pallas import tpu as pltpu
from jax.experimental.pallas import tpu_sc as plsc

N_NODES = 10000
N_EDGES = 320000
D_N = 128
D_OUT = 16

NUM_CORES = 2
NUM_SUBCORES = 16
NUM_WORKERS = NUM_CORES * NUM_SUBCORES
EDGES_PER_WORKER = N_EDGES // NUM_WORKERS
CHUNK = 1000
NUM_CHUNKS = EDGES_PER_WORKER // CHUNK
NUM_PAIRS = NUM_CHUNKS // 2



def _proj_body(x_ref, wc_ref, brow_ref, p_ref):
  p_ref[...] = (
      jnp.dot(x_ref[...], wc_ref[...], preferred_element_type=jnp.float32)
      + brow_ref[...]
  )


def _node_proj(x, wc_pad, bias_row):
  grid = 5
  rows = N_NODES // grid
  return pl.pallas_call(
      _proj_body,
      grid=(grid,),
      in_specs=[
          pl.BlockSpec((rows, D_N), lambda i: (i, 0)),
          pl.BlockSpec((D_N, 128), lambda i: (0, 0)),
          pl.BlockSpec((1, 128), lambda i: (0, 0)),
      ],
      out_specs=pl.BlockSpec((rows, 128), lambda i: (i, 0)),
      out_shape=jax.ShapeDtypeStruct((N_NODES, 128), jnp.float32),
  )(x, wc_pad, bias_row)



def _epi_body(gt_ref, evt_ref, w_ref, ot_ref):
  st = lax.dot_general(
      w_ref[...], evt_ref[...], (((1,), (0,)), ((), ())),
      preferred_element_type=jnp.float32,
  )
  ot_ref[...] = jnp.maximum(gt_ref[...] + st, 0.0)


def _epilogue(g_t, ev_t, w_self):
  grid = 10
  cols = N_EDGES // grid
  return pl.pallas_call(
      _epi_body,
      grid=(grid,),
      in_specs=[
          pl.BlockSpec((D_OUT, cols), lambda i: (0, i)),
          pl.BlockSpec((D_OUT, cols), lambda i: (0, i)),
          pl.BlockSpec((D_OUT, D_OUT), lambda i: (0, 0)),
      ],
      out_specs=pl.BlockSpec((D_OUT, cols), lambda i: (0, i)),
      out_shape=jax.ShapeDtypeStruct((D_OUT, N_EDGES), jnp.float32),
  )(g_t, ev_t, w_self)



_MESH = plsc.VectorSubcoreMesh(core_axis_name="c", subcore_axis_name="s")


@functools.partial(
    pl.kernel,
    out_type=jax.ShapeDtypeStruct((N_EDGES, D_OUT), jnp.float32),
    mesh=_MESH,
    scratch_types=[
        pltpu.VMEM((EDGES_PER_WORKER,), jnp.int32),
        pltpu.VMEM((EDGES_PER_WORKER,), jnp.int32),
        pltpu.VMEM((2, CHUNK, D_OUT), jnp.float32),
        pltpu.VMEM((2, CHUNK, D_OUT), jnp.float32),
        pltpu.SemaphoreType.DMA,
        pltpu.SemaphoreType.DMA,
        pltpu.SemaphoreType.DMA,
        pltpu.SemaphoreType.DMA,
    ],
    compiler_params=pltpu.CompilerParams(use_tc_tiling_on_sc=False),
)
def _sc_gather_sum(p12_hbm, ei_hbm, g_hbm,
                   si_v, di_v, r1_v, r2_v,
                   semg0, semg1, semo0, semo1):
  wid = lax.axis_index("s") * NUM_CORES + lax.axis_index("c")
  base = wid * EDGES_PER_WORKER
  semg = (semg0, semg1)
  semo = (semo0, semo1)

  pltpu.sync_copy(ei_hbm.at[0, pl.ds(base, EDGES_PER_WORKER)], si_v)
  pltpu.sync_copy(ei_hbm.at[1, pl.ds(base, EDGES_PER_WORKER)], di_v)

  @plsc.parallel_loop(0, EDGES_PER_WORKER // 16, unroll=8)
  def _(i):
    sl = pl.ds(i * 16, 16)
    si_v[sl] = si_v[sl] * 8
    di_v[sl] = di_v[sl] * 8 + 1

  def issue(c, b):
    sl = pl.ds(c * CHUNK, CHUNK)
    pltpu.async_copy(p12_hbm.at[si_v.at[sl]], r1_v.at[b], semg[b])
    pltpu.async_copy(p12_hbm.at[di_v.at[sl]], r2_v.at[b], semg[b])

  def wait_in(b):
    g = pltpu.make_async_copy(
        p12_hbm.at[si_v.at[pl.ds(0, CHUNK)]], r1_v.at[b], semg[b]
    )
    g.wait()
    g.wait()

  def wait_out(b):
    pltpu.make_async_copy(
        r1_v.at[b], g_hbm.at[pl.ds(0, CHUNK)], semo[b]
    ).wait()

  def store_out(c, b):
    pltpu.async_copy(
        r1_v.at[b], g_hbm.at[pl.ds(base + c * CHUNK, CHUNK)], semo[b]
    )

  def compute(b):
    r1_b = r1_v.at[b]
    r2_b = r2_v.at[b]

    @plsc.parallel_loop(0, CHUNK, unroll=8)
    def _(e):
      r1_b[e, :] = r1_b[e, :] + r2_b[e, :]

  def process(c, b, k):
    wait_in(b)

    @pl.when(k > 0)
    def _():
      wait_out(b)

    compute(b)
    store_out(c, b)

    @pl.when(c + 2 < NUM_CHUNKS)
    def _():
      issue(c + 2, b)

  issue(0, 0)
  issue(1, 1)

  def pair_body(k, carry):
    process(2 * k, 0, k)
    process(2 * k + 1, 1, k)
    return carry

  lax.fori_loop(0, NUM_PAIRS, pair_body, 0)

  wait_out(0)
  wait_out(1)


def kernel(X, edge_index, edge_vals, W_pass, b_pass, W_self, b_self):
  wa = W_pass[:, :D_N]
  wb = W_pass[:, D_N:]
  wc1 = ((wa + wb) * 0.5).T
  wc2 = ((wb - wa) * 0.5).T
  wc_pad = jnp.zeros((D_N, 128), jnp.float32)
  wc_pad = wc_pad.at[:, :D_OUT].set(wc1).at[:, D_OUT : 2 * D_OUT].set(wc2)
  bias_row = jnp.zeros((1, 128), jnp.float32)
  bias_row = bias_row.at[0, :D_OUT].set(b_pass + b_self)

  p12 = _node_proj(X, wc_pad, bias_row)
  p12_rows = p12.reshape(N_NODES * 8, D_OUT)

  g = _sc_gather_sum(p12_rows, edge_index.astype(jnp.int32))
  out_t = _epilogue(g.T, edge_vals.T, W_self)
  return out_t.T

# --- scband reference (transcript-rebuilt; emitter-appended) ---
"""Pipeline reference for scband-edge-gcnconv-32701880992041 (READ-ONLY COPY).

The authoritative reference and input builder live on the scoring server;
editing this copy changes nothing except your own understanding.
"""

import jax, jax.numpy as jnp
import numpy as np

N_NODES = 10000
N_EDGES = 320000
D_N = 128
D_E = 16
D_OUT = 16


def setup_inputs(seed: int = 0) -> dict:
    key = jax.random.key(seed)
    k1, k2, k3, k4, k5, k6, k7 = jax.random.split(key, 7)
    X = jax.random.normal(k1, (N_NODES, D_N), dtype=jnp.float32)
    edge_index = jax.random.randint(k2, (2, N_EDGES), 0, N_NODES, dtype=jnp.int64 if jax.config.jax_enable_x64 else jnp.int32)
    edge_vals = jax.random.normal(k3, (N_EDGES, D_E), dtype=jnp.float32)
    # pass_map: Linear(2*D_N -> D_OUT); torch stores weight as [out, in]
    W_pass = jax.random.normal(k4, (D_OUT, 2 * D_N), dtype=jnp.float32) * 0.05
    b_pass = jax.random.normal(k5, (D_OUT,), dtype=jnp.float32) * 0.05
    # self_map: Linear(D_E -> D_OUT)
    W_self = jax.random.normal(k6, (D_OUT, D_E), dtype=jnp.float32) * 0.05
    b_self = jax.random.normal(k7, (D_OUT,), dtype=jnp.float32) * 0.05
    return {
        "X": X,
        "edge_index": edge_index,
        "edge_vals": edge_vals,
        "W_pass": W_pass,
        "b_pass": b_pass,
        "W_self": W_self,
        "b_self": b_self,
    }


def reference(X, edge_index, edge_vals, W_pass, b_pass, W_self, b_self):
    # Sparse branch of EdgeGCNConv.forward:
    # gather endpoint node features per edge
    src = edge_index[0]
    dst = edge_index[1]
    X1 = jnp.take(X, src, axis=0)
    X2 = jnp.take(X, dst, axis=0)
    X1, X2 = (X1 - X2) / 2.0, (X1 + X2) / 2.0
    E = jnp.concatenate([X1, X2], axis=-1)  # [n_edges, 2*D_N]
    pass_out = E @ W_pass.T + b_pass
    self_out = edge_vals @ W_self.T + b_self
    new_vals = jax.nn.relu(pass_out + self_out)  # activation=True
    # torch returns a sparse COO tensor with these values at edge_index;
    # we return the per-edge value matrix (the learned quantity).
    return new_vals

if __name__ == "__main__":
    import jax
    _d = setup_inputs()
    print(jax.jit(kernel)(*tuple(_d.values())))

</pallas_src>

<mosaic_0001>
#map = affine_map<(d0, d1) -> (0, 0)>
module attributes {stable_mosaic.version = 14 : i64} {
  func.func @_sc_gather_sum(%arg0: i32, %arg1: i32, %arg2: memref<80000x16xf32, #tpu.memory_space<hbm>>, %arg3: memref<2x320000xi32, #tpu.memory_space<hbm>>, %arg4: memref<320000x16xf32, #tpu.memory_space<hbm>>, %arg5: memref<10000xi32, #tpu.memory_space<vmem>>, %arg6: memref<10000xi32, #tpu.memory_space<vmem>>, %arg7: memref<2x1000x16xf32, #tpu.memory_space<vmem>>, %arg8: memref<2x1000x16xf32, #tpu.memory_space<vmem>>, %arg9: memref<!tpu.dma_semaphore, #tpu.memory_space<semaphore_mem>>, %arg10: memref<!tpu.dma_semaphore, #tpu.memory_space<semaphore_mem>>, %arg11: memref<!tpu.dma_semaphore, #tpu.memory_space<semaphore_mem>>, %arg12: memref<!tpu.dma_semaphore, #tpu.memory_space<semaphore_mem>>) attributes {dimension_semantics = [#tpu.dimension_semantics<core_parallel>, #tpu.dimension_semantics<subcore_parallel>], iteration_bounds = array<i64: 2, 16>, scalar_prefetch = 0 : i64, scratch_operands = 8 : i64, tpu.core_type = #tpu.core_type<sc_vector_subcore>, window_params = [{transform_indices = #map}, {transform_indices = #map}, {transform_indices = #map}]} {
    %mul3A = arith.constant 2 : i32
    %mul3A_0 = arith.muli %arg1, %mul3A : i32
    %add3A = arith.addi %mul3A_0, %arg0 : i32
    %mul3A_1 = arith.constant 10000 : i32
    %mul3A_2 = arith.muli %add3A, %mul3A_1 : i32
    %run_scoped3A = arith.constant 0 : i32
    "tpu.region"() ({
      %run_scoped3A_79 = tpu.sem_alloc : memref<!tpu.dma_semaphore, #tpu.memory_space<semaphore_mem>>
      %dma_start3A_80 = tpu.memref_slice %arg3[%run_scoped3A, %mul3A_2] : memref<2x320000xi32, #tpu.memory_space<hbm>> -> memref<1x10000xi32, #tpu.memory_space<hbm>>
      %dma_start3A_81 = tpu.memref_squeeze %dma_start3A_80 : memref<1x10000xi32, #tpu.memory_space<hbm>> -> memref<10000xi32, #tpu.memory_space<hbm>>
      %dma_start3A_82 = tpu.memref_slice %arg3[%run_scoped3A, %mul3A_2] : memref<2x320000xi32, #tpu.memory_space<hbm>> -> memref<1x10000xi32, #tpu.memory_space<hbm>>
      %dma_start3A_83 = tpu.memref_squeeze %dma_start3A_82 : memref<1x10000xi32, #tpu.memory_space<hbm>> -> memref<10000xi32, #tpu.memory_space<hbm>>
      tpu.enqueue_dma source(%dma_start3A_83 : memref<10000xi32, #tpu.memory_space<hbm>>) target(%arg5 : memref<10000xi32, #tpu.memory_space<vmem>>) target_semaphore(%run_scoped3A_79 : memref<!tpu.dma_semaphore, #tpu.memory_space<semaphore_mem>>)
      %dma_wait3A_84 = tpu.memref_slice %arg3[%run_scoped3A, %mul3A_2] : memref<2x320000xi32, #tpu.memory_space<hbm>> -> memref<1x10000xi32, #tpu.memory_space<hbm>>
      %dma_wait3A_85 = tpu.memref_squeeze %dma_wait3A_84 : memref<1x10000xi32, #tpu.memory_space<hbm>> -> memref<10000xi32, #tpu.memory_space<hbm>>
      %dma_wait3A_86 = tpu.memref_slice %arg3[%run_scoped3A, %mul3A_2] : memref<2x320000xi32, #tpu.memory_space<hbm>> -> memref<1x10000xi32, #tpu.memory_space<hbm>>
      %dma_wait3A_87 = tpu.memref_squeeze %dma_wait3A_86 : memref<1x10000xi32, #tpu.memory_space<hbm>> -> memref<10000xi32, #tpu.memory_space<hbm>>
      tpu.wait_dma2 semaphore(%run_scoped3A_79 : memref<!tpu.dma_semaphore, #tpu.memory_space<semaphore_mem>>) src(%dma_wait3A_87 : memref<10000xi32, #tpu.memory_space<hbm>>) dst(%arg5 : memref<10000xi32, #tpu.memory_space<vmem>>)
      tpu.yield
    }) : () -> ()
    %run_scoped3A_3 = arith.constant 1 : i32
    "tpu.region"() ({
      %run_scoped3A_79 = tpu.sem_alloc : memref<!tpu.dma_semaphore, #tpu.memory_space<semaphore_mem>>
      %dma_start3A_80 = tpu.memref_slice %arg3[%run_scoped3A_3, %mul3A_2] : memref<2x320000xi32, #tpu.memory_space<hbm>> -> memref<1x10000xi32, #tpu.memory_space<hbm>>
      %dma_start3A_81 = tpu.memref_squeeze %dma_start3A_80 : memref<1x10000xi32, #tpu.memory_space<hbm>> -> memref<10000xi32, #tpu.memory_space<hbm>>
      %dma_start3A_82 = tpu.memref_slice %arg3[%run_scoped3A_3, %mul3A_2] : memref<2x320000xi32, #tpu.memory_space<hbm>> -> memref<1x10000xi32, #tpu.memory_space<hbm>>
      %dma_start3A_83 = tpu.memref_squeeze %dma_start3A_82 : memref<1x10000xi32, #tpu.memory_space<hbm>> -> memref<10000xi32, #tpu.memory_space<hbm>>
      tpu.enqueue_dma source(%dma_start3A_83 : memref<10000xi32, #tpu.memory_space<hbm>>) target(%arg6 : memref<10000xi32, #tpu.memory_space<vmem>>) target_semaphore(%run_scoped3A_79 : memref<!tpu.dma_semaphore, #tpu.memory_space<semaphore_mem>>)
      %dma_wait3A_84 = tpu.memref_slice %arg3[%run_scoped3A_3, %mul3A_2] : memref<2x320000xi32, #tpu.memory_space<hbm>> -> memref<1x10000xi32, #tpu.memory_space<hbm>>
      %dma_wait3A_85 = tpu.memref_squeeze %dma_wait3A_84 : memref<1x10000xi32, #tpu.memory_space<hbm>> -> memref<10000xi32, #tpu.memory_space<hbm>>
      %dma_wait3A_86 = tpu.memref_slice %arg3[%run_scoped3A_3, %mul3A_2] : memref<2x320000xi32, #tpu.memory_space<hbm>> -> memref<1x10000xi32, #tpu.memory_space<hbm>>
      %dma_wait3A_87 = tpu.memref_squeeze %dma_wait3A_86 : memref<1x10000xi32, #tpu.memory_space<hbm>> -> memref<10000xi32, #tpu.memory_space<hbm>>
      tpu.wait_dma2 semaphore(%run_scoped3A_79 : memref<!tpu.dma_semaphore, #tpu.memory_space<semaphore_mem>>) src(%dma_wait3A_87 : memref<10000xi32, #tpu.memory_space<hbm>>) dst(%arg6 : memref<10000xi32, #tpu.memory_space<vmem>>)
      tpu.yield
    }) : () -> ()
    %parallel_loop3A = arith.constant 0 : i32
    %parallel_loop3A_4 = arith.constant 625 : i32
    %parallel_loop3A_5 = arith.constant 1 : i32
    scf.for %parallel_loop3A_79 = %parallel_loop3A to %parallel_loop3A_4 step %parallel_loop3A_5  : i32 {
      %parallel_loop3A_80 = arith.constant 16 : i32
      %parallel_loop3A_81 = arith.muli %parallel_loop3A_79, %parallel_loop3A_80 : i32
      %parallel_loop3A_82 = arith.index_cast %parallel_loop3A_81 : i32 to index
      %parallel_loop3A_83 = tpu.vector_load %arg5[%parallel_loop3A_82] {strides = array<i32>} : memref<10000xi32, #tpu.memory_space<vmem>>, vector<16xi32>,
      %parallel_loop3A_84 = vector.shape_cast %parallel_loop3A_83 : vector<16xi32> to vector<16xi32>
      %parallel_loop3A_85 = arith.constant 8 : i32
      %parallel_loop3A_86 = vector.broadcast %parallel_loop3A_85 : i32 to vector<16xi32>
      %parallel_loop3A_87 = arith.muli %parallel_loop3A_84, %parallel_loop3A_86 : vector<16xi32>
      %parallel_loop3A_88 = arith.index_cast %parallel_loop3A_81 : i32 to index
      %parallel_loop3A_89 = tpu.vector_load %arg5[%parallel_loop3A_88] {strides = array<i32>} : memref<10000xi32, #tpu.memory_space<vmem>>, vector<16xi32>,
      %parallel_loop3A_90 = vector.shape_cast %parallel_loop3A_89 : vector<16xi32> to vector<16xi32>
      %parallel_loop3A_91 = vector.shape_cast %parallel_loop3A_87 : vector<16xi32> to vector<16xi32>
      tpu.vector_store %arg5[%parallel_loop3A_88], %parallel_loop3A_91 {strides = array<i32>} : memref<10000xi32, #tpu.memory_space<vmem>>, vector<16xi32>,
      %parallel_loop3A_92 = arith.index_cast %parallel_loop3A_81 : i32 to index
      %parallel_loop3A_93 = tpu.vector_load %arg6[%parallel_loop3A_92] {strides = array<i32>} : memref<10000xi32, #tpu.memory_space<vmem>>, vector<16xi32>,
      %parallel_loop3A_94 = vector.shape_cast %parallel_loop3A_93 : vector<16xi32> to vector<16xi32>
      %parallel_loop3A_95 = arith.constant 8 : i32
      %parallel_loop3A_96 = vector.broadcast %parallel_loop3A_95 : i32 to vector<16xi32>
      %parallel_loop3A_97 = arith.muli %parallel_loop3A_94, %parallel_loop3A_96 : vector<16xi32>
      %parallel_loop3A_98 = arith.constant 1 : i32
      %parallel_loop3A_99 = vector.broadcast %parallel_loop3A_98 : i32 to vector<16xi32>
      %parallel_loop3A_100 = arith.addi %parallel_loop3A_97, %parallel_loop3A_99 : vector<16xi32>
      %parallel_loop3A_101 = arith.index_cast %parallel_loop3A_81 : i32 to index
      %parallel_loop3A_102 = tpu.vector_load %arg6[%parallel_loop3A_101] {strides = array<i32>} : memref<10000xi32, #tpu.memory_space<vmem>>, vector<16xi32>,
      %parallel_loop3A_103 = vector.shape_cast %parallel_loop3A_102 : vector<16xi32> to vector<16xi32>
      %parallel_loop3A_104 = vector.shape_cast %parallel_loop3A_100 : vector<16xi32> to vector<16xi32>
      tpu.vector_store %arg6[%parallel_loop3A_101], %parallel_loop3A_104 {strides = array<i32>} : memref<10000xi32, #tpu.memory_space<vmem>>, vector<16xi32>,
    } {sc.loop_unroll_factor = 8 : i64, sc.parallel_access}
    %dma_start3A = arith.constant 0 : i32
    %dma_start3A_6 = arith.constant 0 : i32
    %dma_start3A_7 = arith.constant 0 : i32
    %dma_start3A_8 = tpu.memref_slice %arg7[%dma_start3A, %dma_start3A_6, %dma_start3A_7] : memref<2x1000x16xf32, #tpu.memory_space<vmem>> -> memref<1x1000x16xf32, #tpu.memory_space<vmem>>
    %dma_start3A_9 = tpu.memref_squeeze %dma_start3A_8 : memref<1x1000x16xf32, #tpu.memory_space<vmem>> -> memref<1000x16xf32, #tpu.memory_space<vmem>>
    %dma_start3A_10 = arith.constant 0 : i32
    %dma_start3A_11 = tpu.memref_slice %arg5[%dma_start3A_10] : memref<10000xi32, #tpu.memory_space<vmem>> -> memref<1000xi32, #tpu.memory_space<vmem>>
    %dma_start3A_12 = arith.constant 0 : i32
    %dma_start3A_13 = arith.constant 0 : i32
    %dma_start3A_14 = tpu.memref_slice %arg2[%dma_start3A_12, %dma_start3A_13] : memref<80000x16xf32, #tpu.memory_space<hbm>> -> memref<80000x16xf32, #tpu.memory_space<hbm>>
    tpu.enqueue_indirect_dma source(%dma_start3A_14 : memref<80000x16xf32, #tpu.memory_space<hbm>>) target(%dma_start3A_9 : memref<1000x16xf32, #tpu.memory_space<vmem>>) offsets(%dma_start3A_11 : memref<1000xi32, #tpu.memory_space<vmem>>) semaphore(%arg9 : memref<!tpu.dma_semaphore, #tpu.memory_space<semaphore_mem>>)
    %dma_start3A_15 = arith.constant 0 : i32
    %dma_start3A_16 = arith.constant 0 : i32
    %dma_start3A_17 = arith.constant 0 : i32
    %dma_start3A_18 = tpu.memref_slice %arg8[%dma_start3A_15, %dma_start3A_16, %dma_start3A_17] : memref<2x1000x16xf32, #tpu.memory_space<vmem>> -> memref<1x1000x16xf32, #tpu.memory_space<vmem>>
    %dma_start3A_19 = tpu.memref_squeeze %dma_start3A_18 : memref<1x1000x16xf32, #tpu.memory_space<vmem>> -> memref<1000x16xf32, #tpu.memory_space<vmem>>
    %dma_start3A_20 = arith.constant 0 : i32
    %dma_start3A_21 = tpu.memref_slice %arg6[%dma_start3A_20] : memref<10000xi32, #tpu.memory_space<vmem>> -> memref<1000xi32, #tpu.memory_space<vmem>>
    %dma_start3A_22 = arith.constant 0 : i32
    %dma_start3A_23 = arith.constant 0 : i32
    %dma_start3A_24 = tpu.memref_slice %arg2[%dma_start3A_22, %dma_start3A_23] : memref<80000x16xf32, #tpu.memory_space<hbm>> -> memref<80000x16xf32, #tpu.memory_space<hbm>>
    tpu.enqueue_indirect_dma source(%dma_start3A_24 : memref<80000x16xf32, #tpu.memory_space<hbm>>) target(%dma_start3A_19 : memref<1000x16xf32, #tpu.memory_space<vmem>>) offsets(%dma_start3A_21 : memref<1000xi32, #tpu.memory_space<vmem>>) semaphore(%arg9 : memref<!tpu.dma_semaphore, #tpu.memory_space<semaphore_mem>>)
    %dma_start3A_25 = arith.constant 1 : i32
    %dma_start3A_26 = arith.constant 0 : i32
    %dma_start3A_27 = arith.constant 0 : i32
    %dma_start3A_28 = tpu.memref_slice %arg7[%dma_start3A_25, %dma_start3A_26, %dma_start3A_27] : memref<2x1000x16xf32, #tpu.memory_space<vmem>> -> memref<1x1000x16xf32, #tpu.memory_space<vmem>>
    %dma_start3A_29 = tpu.memref_squeeze %dma_start3A_28 : memref<1x1000x16xf32, #tpu.memory_space<vmem>> -> memref<1000x16xf32, #tpu.memory_space<vmem>>
    %dma_start3A_30 = arith.constant 1000 : i32
    %dma_start3A_31 = tpu.memref_slice %arg5[%dma_start3A_30] : memref<10000xi32, #tpu.memory_space<vmem>> -> memref<1000xi32, #tpu.memory_space<vmem>>
    %dma_start3A_32 = arith.constant 0 : i32
    %dma_start3A_33 = arith.constant 0 : i32
    %dma_start3A_34 = tpu.memref_slice %arg2[%dma_start3A_32, %dma_start3A_33] : memref<80000x16xf32, #tpu.memory_space<hbm>> -> memref<80000x16xf32, #tpu.memory_space<hbm>>
    tpu.enqueue_indirect_dma source(%dma_start3A_34 : memref<80000x16xf32, #tpu.memory_space<hbm>>) target(%dma_start3A_29 : memref<1000x16xf32, #tpu.memory_space<vmem>>) offsets(%dma_start3A_31 : memref<1000xi32, #tpu.memory_space<vmem>>) semaphore(%arg10 : memref<!tpu.dma_semaphore, #tpu.memory_space<semaphore_mem>>)
    %dma_start3A_35 = arith.constant 1 : i32
    %dma_start3A_36 = arith.constant 0 : i32
    %dma_start3A_37 = arith.constant 0 : i32
    %dma_start3A_38 = tpu.memref_slice %arg8[%dma_start3A_35, %dma_start3A_36, %dma_start3A_37] : memref<2x1000x16xf32, #tpu.memory_space<vmem>> -> memref<1x1000x16xf32, #tpu.memory_space<vmem>>
    %dma_start3A_39 = tpu.memref_squeeze %dma_start3A_38 : memref<1x1000x16xf32, #tpu.memory_space<vmem>> -> memref<1000x16xf32, #tpu.memory_space<vmem>>
    %dma_start3A_40 = arith.constant 1000 : i32
    %dma_start3A_41 = tpu.memref_slice %arg6[%dma_start3A_40] : memref<10000xi32, #tpu.memory_space<vmem>> -> memref<1000xi32, #tpu.memory_space<vmem>>
    %dma_start3A_42 = arith.constant 0 : i32
    %dma_start3A_43 = arith.constant 0 : i32
    %dma_start3A_44 = tpu.memref_slice %arg2[%dma_start3A_42, %dma_start3A_43] : memref<80000x16xf32, #tpu.memory_space<hbm>> -> memref<80000x16xf32, #tpu.memory_space<hbm>>
    tpu.enqueue_indirect_dma source(%dma_start3A_44 : memref<80000x16xf32, #tpu.memory_space<hbm>>) target(%dma_start3A_39 : memref<1000x16xf32, #tpu.memory_space<vmem>>) offsets(%dma_start3A_41 : memref<1000xi32, #tpu.memory_space<vmem>>) semaphore(%arg10 : memref<!tpu.dma_semaphore, #tpu.memory_space<semaphore_mem>>)
    %scan3A = arith.constant 0 : i32
    %scan3A_45 = arith.constant 0 : i32
    %scan3A_46 = arith.constant 5 : i32
    %scan3A_47 = arith.addi %scan3A_45, %scan3A_46 : i32
    %scan3A_48 = arith.constant 1 : i32
    scf.for %scan3A_79 = %scan3A_45 to %scan3A_47 step %scan3A_48  : i32 {
      %mul3A_80 = arith.constant 2 : i32
      %mul3A_81 = arith.muli %mul3A_80, %scan3A_79 : i32
      %dma_wait3A_82 = arith.constant 0 : i32
      %dma_wait3A_83 = arith.constant 0 : i32
      %dma_wait3A_84 = arith.constant 0 : i32
      %dma_wait3A_85 = tpu.memref_slice %arg7[%dma_wait3A_82, %dma_wait3A_83, %dma_wait3A_84] : memref<2x1000x16xf32, #tpu.memory_space<vmem>> -> memref<1x1000x16xf32, #tpu.memory_space<vmem>>
      %dma_wait3A_86 = tpu.memref_squeeze %dma_wait3A_85 : memref<1x1000x16xf32, #tpu.memory_space<vmem>> -> memref<1000x16xf32, #tpu.memory_space<vmem>>
      %dma_wait3A_87 = arith.constant 0 : i32
      %dma_wait3A_88 = tpu.memref_slice %arg5[%dma_wait3A_87] : memref<10000xi32, #tpu.memory_space<vmem>> -> memref<1000xi32, #tpu.memory_space<vmem>>
      %dma_wait3A_89 = arith.constant 0 : i32
      %dma_wait3A_90 = arith.constant 0 : i32
      %dma_wait3A_91 = tpu.memref_slice %arg2[%dma_wait3A_89, %dma_wait3A_90] : memref<80000x16xf32, #tpu.memory_space<hbm>> -> memref<80000x16xf32, #tpu.memory_space<hbm>>
      tpu.wait_indirect_dma semaphore(%arg9 : memref<!tpu.dma_semaphore, #tpu.memory_space<semaphore_mem>>) src(%dma_wait3A_91 : memref<80000x16xf32, #tpu.memory_space<hbm>>) dst(%dma_wait3A_86 : memref<1000x16xf32, #tpu.memory_space<vmem>>)
      %dma_wait3A_92 = arith.constant 0 : i32
      %dma_wait3A_93 = arith.constant 0 : i32
      %dma_wait3A_94 = arith.constant 0 : i32
      %dma_wait3A_95 = tpu.memref_slice %arg7[%dma_wait3A_92, %dma_wait3A_93, %dma_wait3A_94] : memref<2x1000x16xf32, #tpu.memory_space<vmem>> -> memref<1x1000x16xf32, #tpu.memory_space<vmem>>
      %dma_wait3A_96 = tpu.memref_squeeze %dma_wait3A_95 : memref<1x1000x16xf32, #tpu.memory_space<vmem>> -> memref<1000x16xf32, #tpu.memory_space<vmem>>
      %dma_wait3A_97 = arith.constant 0 : i32
      %dma_wait3A_98 = tpu.memref_slice %arg5[%dma_wait3A_97] : memref<10000xi32, #tpu.memory_space<vmem>> -> memref<1000xi32, #tpu.memory_space<vmem>>
      %dma_wait3A_99 = arith.constant 0 : i32
      %dma_wait3A_100 = arith.constant 0 : i32
      %dma_wait3A_101 = tpu.memref_slice %arg2[%dma_wait3A_99, %dma_wait3A_100] : memref<80000x16xf32, #tpu.memory_space<hbm>> -> memref<80000x16xf32, #tpu.memory_space<hbm>>
      tpu.wait_indirect_dma semaphore(%arg9 : memref<!tpu.dma_semaphore, #tpu.memory_space<semaphore_mem>>) src(%dma_wait3A_101 : memref<80000x16xf32, #tpu.memory_space<hbm>>) dst(%dma_wait3A_96 : memref<1000x16xf32, #tpu.memory_space<vmem>>)
      %gt3A = arith.constant 0 : i32
      %gt3A_102 = arith.cmpi sgt, %scan3A_79, %gt3A : i32
      %convert_element_type3A = arith.extui %gt3A_102 : i1 to i32
      %cond3A = arith.constant 0 : i32
      %cond3A_103 = arith.cmpi ne, %convert_element_type3A, %cond3A : i32
      scf.if %cond3A_103 {
        %dma_wait3A_188 = arith.constant 0 : i32
        %dma_wait3A_189 = arith.constant 0 : i32
        %dma_wait3A_190 = arith.constant 0 : i32
        %dma_wait3A_191 = tpu.memref_slice %arg7[%dma_wait3A_188, %dma_wait3A_189, %dma_wait3A_190] : memref<2x1000x16xf32, #tpu.memory_space<vmem>> -> memref<1x1000x16xf32, #tpu.memory_space<vmem>>
        %dma_wait3A_192 = tpu.memref_squeeze %dma_wait3A_191 : memref<1x1000x16xf32, #tpu.memory_space<vmem>> -> memref<1000x16xf32, #tpu.memory_space<vmem>>
        %dma_wait3A_193 = arith.constant 0 : i32
        %dma_wait3A_194 = arith.constant 0 : i32
        %dma_wait3A_195 = tpu.memref_slice %arg4[%dma_wait3A_193, %dma_wait3A_194] : memref<320000x16xf32, #tpu.memory_space<hbm>> -> memref<1000x16xf32, #tpu.memory_space<hbm>>
        %dma_wait3A_196 = arith.constant 0 : i32
        %dma_wait3A_197 = arith.constant 0 : i32
        %dma_wait3A_198 = tpu.memref_slice %arg4[%dma_wait3A_196, %dma_wait3A_197] : memref<320000x16xf32, #tpu.memory_space<hbm>> -> memref<1000x16xf32, #tpu.memory_space<hbm>>
        %dma_wait3A_199 = arith.constant 0 : i32
        %dma_wait3A_200 = arith.constant 0 : i32
        %dma_wait3A_201 = tpu.memref_slice %arg7[%dma_wait3A_188, %dma_wait3A_199, %dma_wait3A_200] : memref<2x1000x16xf32, #tpu.memory_space<vmem>> -> memref<1x1000x16xf32, #tpu.memory_space<vmem>>
        %dma_wait3A_202 = tpu.memref_squeeze %dma_wait3A_201 : memref<1x1000x16xf32, #tpu.memory_space<vmem>> -> memref<1000x16xf32, #tpu.memory_space<vmem>>
        tpu.wait_dma2 semaphore(%arg11 : memref<!tpu.dma_semaphore, #tpu.memory_space<semaphore_mem>>) src(%dma_wait3A_202 : memref<1000x16xf32, #tpu.memory_space<vmem>>) dst(%dma_wait3A_198 : memref<1000x16xf32, #tpu.memory_space<hbm>>)
      } else {
      }
      %parallel_loop3A_104 = arith.constant 0 : i32
      %parallel_loop3A_105 = arith.constant 1000 : i32
      %parallel_loop3A_106 = arith.constant 1 : i32
      %parallel_loop3A_107 = arith.constant 0 : i32
      %parallel_loop3A_108 = arith.constant 0 : i32
      scf.for %parallel_loop3A_188 = %parallel_loop3A_104 to %parallel_loop3A_105 step %parallel_loop3A_106  : i32 {
        %parallel_loop3A_189 = arith.constant 0 : i32
        %parallel_loop3A_190 = arith.constant 0 : i32
        %parallel_loop3A_191 = tpu.memref_slice %arg7[%parallel_loop3A_107, %parallel_loop3A_189, %parallel_loop3A_190] : memref<2x1000x16xf32, #tpu.memory_space<vmem>> -> memref<1x1000x16xf32, #tpu.memory_space<vmem>>
        %parallel_loop3A_192 = tpu.memref_squeeze %parallel_loop3A_191 : memref<1x1000x16xf32, #tpu.memory_space<vmem>> -> memref<1000x16xf32, #tpu.memory_space<vmem>>
        %parallel_loop3A_193 = arith.index_cast %parallel_loop3A_188 : i32 to index
        %parallel_loop3A_194 = arith.constant 0 : index
        %parallel_loop3A_195 = tpu.vector_load %parallel_loop3A_192[%parallel_loop3A_193, %parallel_loop3A_194] {strides = array<i32>} : memref<1000x16xf32, #tpu.memory_space<vmem>>, vector<1x16xf32>,
        %parallel_loop3A_196 = vector.shape_cast %parallel_loop3A_195 : vector<1x16xf32> to vector<16xf32>
        %parallel_loop3A_197 = arith.constant 0 : i32
        %parallel_loop3A_198 = arith.constant 0 : i32
        %parallel_loop3A_199 = tpu.memref_slice %arg8[%parallel_loop3A_108, %parallel_loop3A_197, %parallel_loop3A_198] : memref<2x1000x16xf32, #tpu.memory_space<vmem>> -> memref<1x1000x16xf32, #tpu.memory_space<vmem>>
        %parallel_loop3A_200 = tpu.memref_squeeze %parallel_loop3A_199 : memref<1x1000x16xf32, #tpu.memory_space<vmem>> -> memref<1000x16xf32, #tpu.memory_space<vmem>>
        %parallel_loop3A_201 = arith.index_cast %parallel_loop3A_188 : i32 to index
        %parallel_loop3A_202 = arith.constant 0 : index
        %parallel_loop3A_203 = tpu.vector_load %parallel_loop3A_200[%parallel_loop3A_201, %parallel_loop3A_202] {strides = array<i32>} : memref<1000x16xf32, #tpu.memory_space<vmem>>, vector<1x16xf32>,
        %parallel_loop3A_204 = vector.shape_cast %parallel_loop3A_203 : vector<1x16xf32> to vector<16xf32>
        %parallel_loop3A_205 = arith.addf %parallel_loop3A_196, %parallel_loop3A_204 : vector<16xf32>
        %parallel_loop3A_206 = arith.constant 0 : i32
        %parallel_loop3A_207 = arith.constant 0 : i32
        %parallel_loop3A_208 = tpu.memref_slice %arg7[%parallel_loop3A_107, %parallel_loop3A_206, %parallel_loop3A_207] : memref<2x1000x16xf32, #tpu.memory_space<vmem>> -> memref<1x1000x16xf32, #tpu.memory_space<vmem>>
        %parallel_loop3A_209 = tpu.memref_squeeze %parallel_loop3A_208 : memref<1x1000x16xf32, #tpu.memory_space<vmem>> -> memref<1000x16xf32, #tpu.memory_space<vmem>>
        %parallel_loop3A_210 = arith.index_cast %parallel_loop3A_188 : i32 to index
        %parallel_loop3A_211 = arith.constant 0 : index
        %parallel_loop3A_212 = tpu.vector_load %parallel_loop3A_209[%parallel_loop3A_210, %parallel_loop3A_211] {strides = array<i32>} : memref<1000x16xf32, #tpu.memory_space<vmem>>, vector<1x16xf32>,
        %parallel_loop3A_213 = vector.shape_cast %parallel_loop3A_212 : vector<1x16xf32> to vector<16xf32>
        %parallel_loop3A_214 = vector.shape_cast %parallel_loop3A_205 : vector<16xf32> to vector<1x16xf32>
        tpu.vector_store %parallel_loop3A_209[%parallel_loop3A_210, %parallel_loop3A_211], %parallel_loop3A_214 {strides = array<i32>} : memref<1000x16xf32, #tpu.memory_space<vmem>>, vector<1x16xf32>,
      } {sc.loop_unroll_factor = 8 : i64, sc.parallel_access}
      %mul3A_109 = arith.constant 1000 : i32
      %mul3A_110 = arith.muli %mul3A_81, %mul3A_109 : i32
      %add3A_111 = arith.addi %mul3A_2, %mul3A_110 : i32
      %dma_start3A_112 = arith.constant 0 : i32
      %dma_start3A_113 = arith.constant 0 : i32
      %dma_start3A_114 = arith.constant 0 : i32
      %dma_start3A_115 = tpu.memref_slice %arg7[%dma_start3A_112, %dma_start3A_113, %dma_start3A_114] : memref<2x1000x16xf32, #tpu.memory_space<vmem>> -> memref<1x1000x16xf32, #tpu.memory_space<vmem>>
      %dma_start3A_116 = tpu.memref_squeeze %dma_start3A_115 : memref<1x1000x16xf32, #tpu.memory_space<vmem>> -> memref<1000x16xf32, #tpu.memory_space<vmem>>
      %dma_start3A_117 = arith.constant 0 : i32
      %dma_start3A_118 = tpu.memref_slice %arg4[%add3A_111, %dma_start3A_117] : memref<320000x16xf32, #tpu.memory_space<hbm>> -> memref<1000x16xf32, #tpu.memory_space<hbm>>
      %dma_start3A_119 = arith.constant 0 : i32
      %dma_start3A_120 = tpu.memref_slice %arg4[%add3A_111, %dma_start3A_119] : memref<320000x16xf32, #tpu.memory_space<hbm>> -> memref<1000x16xf32, #tpu.memory_space<hbm>>
      %dma_start3A_121 = arith.constant 0 : i32
      %dma_start3A_122 = arith.constant 0 : i32
      %dma_start3A_123 = tpu.memref_slice %arg7[%dma_start3A_112, %dma_start3A_121, %dma_start3A_122] : memref<2x1000x16xf32, #tpu.memory_space<vmem>> -> memref<1x1000x16xf32, #tpu.memory_space<vmem>>
      %dma_start3A_124 = tpu.memref_squeeze %dma_start3A_123 : memref<1x1000x16xf32, #tpu.memory_space<vmem>> -> memref<1000x16xf32, #tpu.memory_space<vmem>>
      tpu.enqueue_dma source(%dma_start3A_124 : memref<1000x16xf32, #tpu.memory_space<vmem>>) target(%dma_start3A_120 : memref<1000x16xf32, #tpu.memory_space<hbm>>) target_semaphore(%arg11 : memref<!tpu.dma_semaphore, #tpu.memory_space<semaphore_mem>>)
      %add3A_125 = arith.constant 2 : i32
      %add3A_126 = arith.addi %mul3A_81, %add3A_125 : i32
      %lt3A = arith.constant 10 : i32
      %lt3A_127 = arith.cmpi slt, %add3A_126, %lt3A : i32
      %convert_element_type3A_128 = arith.extui %lt3A_127 : i1 to i32
      %cond3A_129 = arith.constant 0 : i32
      %cond3A_130 = arith.cmpi ne, %convert_element_type3A_128, %cond3A_129 : i32
      scf.if %cond3A_130 {
        %add3A_188 = arith.constant 2 : i32
        %add3A_189 = arith.addi %mul3A_81, %add3A_188 : i32
        %mul3A_190 = arith.constant 1000 : i32
        %mul3A_191 = arith.muli %add3A_189, %mul3A_190 : i32
        %dma_start3A_192 = arith.constant 0 : i32
        %dma_start3A_193 = arith.constant 0 : i32
        %dma_start3A_194 = arith.constant 0 : i32
        %dma_start3A_195 = tpu.memref_slice %arg7[%dma_start3A_192, %dma_start3A_193, %dma_start3A_194] : memref<2x1000x16xf32, #tpu.memory_space<vmem>> -> memref<1x1000x16xf32, #tpu.memory_space<vmem>>
        %dma_start3A_196 = tpu.memref_squeeze %dma_start3A_195 : memref<1x1000x16xf32, #tpu.memory_space<vmem>> -> memref<1000x16xf32, #tpu.memory_space<vmem>>
        %dma_start3A_197 = tpu.memref_slice %arg5[%mul3A_191] : memref<10000xi32, #tpu.memory_space<vmem>> -> memref<1000xi32, #tpu.memory_space<vmem>>
        %dma_start3A_198 = arith.constant 0 : i32
        %dma_start3A_199 = arith.constant 0 : i32
        %dma_start3A_200 = tpu.memref_slice %arg2[%dma_start3A_198, %dma_start3A_199] : memref<80000x16xf32, #tpu.memory_space<hbm>> -> memref<80000x16xf32, #tpu.memory_space<hbm>>
        tpu.enqueue_indirect_dma source(%dma_start3A_200 : memref<80000x16xf32, #tpu.memory_space<hbm>>) target(%dma_start3A_196 : memref<1000x16xf32, #tpu.memory_space<vmem>>) offsets(%dma_start3A_197 : memref<1000xi32, #tpu.memory_space<vmem>>) semaphore(%arg9 : memref<!tpu.dma_semaphore, #tpu.memory_space<semaphore_mem>>)
        %dma_start3A_201 = arith.constant 0 : i32
        %dma_start3A_202 = arith.constant 0 : i32
        %dma_start3A_203 = arith.constant 0 : i32
        %dma_start3A_204 = tpu.memref_slice %arg8[%dma_start3A_201, %dma_start3A_202, %dma_start3A_203] : memref<2x1000x16xf32, #tpu.memory_space<vmem>> -> memref<1x1000x16xf32, #tpu.memory_space<vmem>>
        %dma_start3A_205 = tpu.memref_squeeze %dma_start3A_204 : memref<1x1000x16xf32, #tpu.memory_space<vmem>> -> memref<1000x16xf32, #tpu.memory_space<vmem>>
        %dma_start3A_206 = tpu.memref_slice %arg6[%mul3A_191] : memref<10000xi32, #tpu.memory_space<vmem>> -> memref<1000xi32, #tpu.memory_space<vmem>>
        %dma_start3A_207 = arith.constant 0 : i32
        %dma_start3A_208 = arith.constant 0 : i32
        %dma_start3A_209 = tpu.memref_slice %arg2[%dma_start3A_207, %dma_start3A_208] : memref<80000x16xf32, #tpu.memory_space<hbm>> -> memref<80000x16xf32, #tpu.memory_space<hbm>>
        tpu.enqueue_indirect_dma source(%dma_start3A_209 : memref<80000x16xf32, #tpu.memory_space<hbm>>) target(%dma_start3A_205 : memref<1000x16xf32, #tpu.memory_space<vmem>>) offsets(%dma_start3A_206 : memref<1000xi32, #tpu.memory_space<vmem>>) semaphore(%arg9 : memref<!tpu.dma_semaphore, #tpu.memory_space<semaphore_mem>>)
      } else {
      }
      %mul3A_131 = arith.constant 2 : i32
      %mul3A_132 = arith.muli %mul3A_131, %scan3A_79 : i32
      %add3A_133 = arith.constant 1 : i32
      %add3A_134 = arith.addi %mul3A_132, %add3A_133 : i32
      %dma_wait3A_135 = arith.constant 1 : i32
      %dma_wait3A_136 = arith.constant 0 : i32
      %dma_wait3A_137 = arith.constant 0 : i32
      %dma_wait3A_138 = tpu.memref_slice %arg7[%dma_wait3A_135, %dma_wait3A_136, %dma_wait3A_137] : memref<2x1000x16xf32, #tpu.memory_space<vmem>> -> memref<1x1000x16xf32, #tpu.memory_space<vmem>>
      %dma_wait3A_139 = tpu.memref_squeeze %dma_wait3A_138 : memref<1x1000x16xf32, #tpu.memory_space<vmem>> -> memref<1000x16xf32, #tpu.memory_space<vmem>>
      %dma_wait3A_140 = arith.constant 0 : i32
      %dma_wait3A_141 = tpu.memref_slice %arg5[%dma_wait3A_140] : memref<10000xi32, #tpu.memory_space<vmem>> -> memref<1000xi32, #tpu.memory_space<vmem>>
      %dma_wait3A_142 = arith.constant 0 : i32
      %dma_wait3A_143 = arith.constant 0 : i32
      %dma_wait3A_144 = tpu.memref_slice %arg2[%dma_wait3A_142, %dma_wait3A_143] : memref<80000x16xf32, #tpu.memory_space<hbm>> -> memref<80000x16xf32, #tpu.memory_space<hbm>>
      tpu.wait_indirect_dma semaphore(%arg10 : memref<!tpu.dma_semaphore, #tpu.memory_space<semaphore_mem>>) src(%dma_wait3A_144 : memref<80000x16xf32, #tpu.memory_space<hbm>>) dst(%dma_wait3A_139 : memref<1000x16xf32, #tpu.memory_space<vmem>>)
      %dma_wait3A_145 = arith.constant 1 : i32
      %dma_wait3A_146 = arith.constant 0 : i32
      %dma_wait3A_147 = arith.constant 0 : i32
      %dma_wait3A_148 = tpu.memref_slice %arg7[%dma_wait3A_145, %dma_wait3A_146, %dma_wait3A_147] : memref<2x1000x16xf32, #tpu.memory_space<vmem>> -> memref<1x1000x16xf32, #tpu.memory_space<vmem>>
      %dma_wait3A_149 = tpu.memref_squeeze %dma_wait3A_148 : memref<1x1000x16xf32, #tpu.memory_space<vmem>> -> memref<1000x16xf32, #tpu.memory_space<vmem>>
      %dma_wait3A_150 = arith.constant 0 : i32
      %dma_wait3A_151 = tpu.memref_slice %arg5[%dma_wait3A_150] : memref<10000xi32, #tpu.memory_space<vmem>> -> memref<1000xi32, #tpu.memory_space<vmem>>
      %dma_wait3A_152 = arith.constant 0 : i32
      %dma_wait3A_153 = arith.constant 0 : i32
      %dma_wait3A_154 = tpu.memref_slice %arg2[%dma_wait3A_152, %dma_wait3A_153] : memref<80000x16xf32, #tpu.memory_space<hbm>> -> memref<80000x16xf32, #tpu.memory_space<hbm>>
      tpu.wait_indirect_dma semaphore(%arg10 : memref<!tpu.dma_semaphore, #tpu.memory_space<semaphore_mem>>) src(%dma_wait3A_154 : memref<80000x16xf32, #tpu.memory_space<hbm>>) dst(%dma_wait3A_149 : memref<1000x16xf32, #tpu.memory_space<vmem>>)
      %gt3A_155 = arith.constant 0 : i32
      %gt3A_156 = arith.cmpi sgt, %scan3A_79, %gt3A_155 : i32
      %convert_element_type3A_157 = arith.extui %gt3A_156 : i1 to i32
      %cond3A_158 = arith.constant 0 : i32
      %cond3A_159 = arith.cmpi ne, %convert_element_type3A_157, %cond3A_158 : i32
      scf.if %cond3A_159 {
        %dma_wait3A_188 = arith.constant 1 : i32
        %dma_wait3A_189 = arith.constant 0 : i32
        %dma_wait3A_190 = arith.constant 0 : i32
        %dma_wait3A_191 = tpu.memref_slice %arg7[%dma_wait3A_188, %dma_wait3A_189, %dma_wait3A_190] : memref<2x1000x16xf32, #tpu.memory_space<vmem>> -> memref<1x1000x16xf32, #tpu.memory_space<vmem>>
        %dma_wait3A_192 = tpu.memref_squeeze %dma_wait3A_191 : memref<1x1000x16xf32, #tpu.memory_space<vmem>> -> memref<1000x16xf32, #tpu.memory_space<vmem>>
        %dma_wait3A_193 = arith.constant 0 : i32
        %dma_wait3A_194 = arith.constant 0 : i32
        %dma_wait3A_195 = tpu.memref_slice %arg4[%dma_wait3A_193, %dma_wait3A_194] : memref<320000x16xf32, #tpu.memory_space<hbm>> -> memref<1000x16xf32, #tpu.memory_space<hbm>>
        %dma_wait3A_196 = arith.constant 0 : i32
        %dma_wait3A_197 = arith.constant 0 : i32
        %dma_wait3A_198 = tpu.memref_slice %arg4[%dma_wait3A_196, %dma_wait3A_197] : memref<320000x16xf32, #tpu.memory_space<hbm>> -> memref<1000x16xf32, #tpu.memory_space<hbm>>
        %dma_wait3A_199 = arith.constant 0 : i32
        %dma_wait3A_200 = arith.constant 0 : i32
        %dma_wait3A_201 = tpu.memref_slice %arg7[%dma_wait3A_188, %dma_wait3A_199, %dma_wait3A_200] : memref<2x1000x16xf32, #tpu.memory_space<vmem>> -> memref<1x1000x16xf32, #tpu.memory_space<vmem>>
        %dma_wait3A_202 = tpu.memref_squeeze %dma_wait3A_201 : memref<1x1000x16xf32, #tpu.memory_space<vmem>> -> memref<1000x16xf32, #tpu.memory_space<vmem>>
        tpu.wait_dma2 semaphore(%arg12 : memref<!tpu.dma_semaphore, #tpu.memory_space<semaphore_mem>>) src(%dma_wait3A_202 : memref<1000x16xf32, #tpu.memory_space<vmem>>) dst(%dma_wait3A_198 : memref<1000x16xf32, #tpu.memory_space<hbm>>)
      } else {
      }
      %parallel_loop3A_160 = arith.constant 0 : i32
      %parallel_loop3A_161 = arith.constant 1000 : i32
      %parallel_loop3A_162 = arith.constant 1 : i32
      %parallel_loop3A_163 = arith.constant 1 : i32
      %parallel_loop3A_164 = arith.constant 1 : i32
      scf.for %parallel_loop3A_188 = %parallel_loop3A_160 to %parallel_loop3A_161 step %parallel_loop3A_162  : i32 {
        %parallel_loop3A_189 = arith.constant 0 : i32
        %parallel_loop3A_190 = arith.constant 0 : i32
        %parallel_loop3A_191 = tpu.memref_slice %arg7[%parallel_loop3A_163, %parallel_loop3A_189, %parallel_loop3A_190] : memref<2x1000x16xf32, #tpu.memory_space<vmem>> -> memref<1x1000x16xf32, #tpu.memory_space<vmem>>
        %parallel_loop3A_192 = tpu.memref_squeeze %parallel_loop3A_191 : memref<1x1000x16xf32, #tpu.memory_space<vmem>> -> memref<1000x16xf32, #tpu.memory_space<vmem>>
        %parallel_loop3A_193 = arith.index_cast %parallel_loop3A_188 : i32 to index
        %parallel_loop3A_194 = arith.constant 0 : index
        %parallel_loop3A_195 = tpu.vector_load %parallel_loop3A_192[%parallel_loop3A_193, %parallel_loop3A_194] {strides = array<i32>} : memref<1000x16xf32, #tpu.memory_space<vmem>>, vector<1x16xf32>,
        %parallel_loop3A_196 = vector.shape_cast %parallel_loop3A_195 : vector<1x16xf32> to vector<16xf32>
        %parallel_loop3A_197 = arith.constant 0 : i32
        %parallel_loop3A_198 = arith.constant 0 : i32
        %parallel_loop3A_199 = tpu.memref_slice %arg8[%parallel_loop3A_164, %parallel_loop3A_197, %parallel_loop3A_198] : memref<2x1000x16xf32, #tpu.memory_space<vmem>> -> memref<1x1000x16xf32, #tpu.memory_space<vmem>>
        %parallel_loop3A_200 = tpu.memref_squeeze %parallel_loop3A_199 : memref<1x1000x16xf32, #tpu.memory_space<vmem>> -> memref<1000x16xf32, #tpu.memory_space<vmem>>
        %parallel_loop3A_201 = arith.index_cast %parallel_loop3A_188 : i32 to index
        %parallel_loop3A_202 = arith.constant 0 : index
        %parallel_loop3A_203 = tpu.vector_load %parallel_loop3A_200[%parallel_loop3A_201, %parallel_loop3A_202] {strides = array<i32>} : memref<1000x16xf32, #tpu.memory_space<vmem>>, vector<1x16xf32>,
        %parallel_loop3A_204 = vector.shape_cast %parallel_loop3A_203 : vector<1x16xf32> to vector<16xf32>
        %parallel_loop3A_205 = arith.addf %parallel_loop3A_196, %parallel_loop3A_204 : vector<16xf32>
        %parallel_loop3A_206 = arith.constant 0 : i32
        %parallel_loop3A_207 = arith.constant 0 : i32
        %parallel_loop3A_208 = tpu.memref_slice %arg7[%parallel_loop3A_163, %parallel_loop3A_206, %parallel_loop3A_207] : memref<2x1000x16xf32, #tpu.memory_space<vmem>> -> memref<1x1000x16xf32, #tpu.memory_space<vmem>>
        %parallel_loop3A_209 = tpu.memref_squeeze %parallel_loop3A_208 : memref<1x1000x16xf32, #tpu.memory_space<vmem>> -> memref<1000x16xf32, #tpu.memory_space<vmem>>
        %parallel_loop3A_210 = arith.index_cast %parallel_loop3A_188 : i32 to index
        %parallel_loop3A_211 = arith.constant 0 : index
        %parallel_loop3A_212 = tpu.vector_load %parallel_loop3A_209[%parallel_loop3A_210, %parallel_loop3A_211] {strides = array<i32>} : memref<1000x16xf32, #tpu.memory_space<vmem>>, vector<1x16xf32>,
        %parallel_loop3A_213 = vector.shape_cast %parallel_loop3A_212 : vector<1x16xf32> to vector<16xf32>
        %parallel_loop3A_214 = vector.shape_cast %parallel_loop3A_205 : vector<16xf32> to vector<1x16xf32>
        tpu.vector_store %parallel_loop3A_209[%parallel_loop3A_210, %parallel_loop3A_211], %parallel_loop3A_214 {strides = array<i32>} : memref<1000x16xf32, #tpu.memory_space<vmem>>, vector<1x16xf32>,
      } {sc.loop_unroll_factor = 8 : i64, sc.parallel_access}
      %mul3A_165 = arith.constant 1000 : i32
      %mul3A_166 = arith.muli %add3A_134, %mul3A_165 : i32
      %add3A_167 = arith.addi %mul3A_2, %mul3A_166 : i32
      %dma_start3A_168 = arith.constant 1 : i32
      %dma_start3A_169 = arith.constant 0 : i32
      %dma_start3A_170 = arith.constant 0 : i32
      %dma_start3A_171 = tpu.memref_slice %arg7[%dma_start3A_168, %dma_start3A_169, %dma_start3A_170] : memref<2x1000x16xf32, #tpu.memory_space<vmem>> -> memref<1x1000x16xf32, #tpu.memory_space<vmem>>
      %dma_start3A_172 = tpu.memref_squeeze %dma_start3A_171 : memref<1x1000x16xf32, #tpu.memory_space<vmem>> -> memref<1000x16xf32, #tpu.memory_space<vmem>>
      %dma_start3A_173 = arith.constant 0 : i32
      %dma_start3A_174 = tpu.memref_slice %arg4[%add3A_167, %dma_start3A_173] : memref<320000x16xf32, #tpu.memory_space<hbm>> -> memref<1000x16xf32, #tpu.memory_space<hbm>>
      %dma_start3A_175 = arith.constant 0 : i32
      %dma_start3A_176 = tpu.memref_slice %arg4[%add3A_167, %dma_start3A_175] : memref<320000x16xf32, #tpu.memory_space<hbm>> -> memref<1000x16xf32, #tpu.memory_space<hbm>>
      %dma_start3A_177 = arith.constant 0 : i32
      %dma_start3A_178 = arith.constant 0 : i32
      %dma_start3A_179 = tpu.memref_slice %arg7[%dma_start3A_168, %dma_start3A_177, %dma_start3A_178] : memref<2x1000x16xf32, #tpu.memory_space<vmem>> -> memref<1x1000x16xf32, #tpu.memory_space<vmem>>
      %dma_start3A_180 = tpu.memref_squeeze %dma_start3A_179 : memref<1x1000x16xf32, #tpu.memory_space<vmem>> -> memref<1000x16xf32, #tpu.memory_space<vmem>>
      tpu.enqueue_dma source(%dma_start3A_180 : memref<1000x16xf32, #tpu.memory_space<vmem>>) target(%dma_start3A_176 : memref<1000x16xf32, #tpu.memory_space<hbm>>) target_semaphore(%arg12 : memref<!tpu.dma_semaphore, #tpu.memory_space<semaphore_mem>>)
      %add3A_181 = arith.constant 2 : i32
      %add3A_182 = arith.addi %add3A_134, %add3A_181 : i32
      %lt3A_183 = arith.constant 10 : i32
      %lt3A_184 = arith.cmpi slt, %add3A_182, %lt3A_183 : i32
      %convert_element_type3A_185 = arith.extui %lt3A_184 : i1 to i32
      %cond3A_186 = arith.constant 0 : i32
      %cond3A_187 = arith.cmpi ne, %convert_element_type3A_185, %cond3A_186 : i32
      scf.if %cond3A_187 {
        %add3A_188 = arith.constant 2 : i32
        %add3A_189 = arith.addi %add3A_134, %add3A_188 : i32
        %mul3A_190 = arith.constant 1000 : i32
        %mul3A_191 = arith.muli %add3A_189, %mul3A_190 : i32
        %dma_start3A_192 = arith.constant 1 : i32
        %dma_start3A_193 = arith.constant 0 : i32
        %dma_start3A_194 = arith.constant 0 : i32
        %dma_start3A_195 = tpu.memref_slice %arg7[%dma_start3A_192, %dma_start3A_193, %dma_start3A_194] : memref<2x1000x16xf32, #tpu.memory_space<vmem>> -> memref<1x1000x16xf32, #tpu.memory_space<vmem>>
        %dma_start3A_196 = tpu.memref_squeeze %dma_start3A_195 : memref<1x1000x16xf32, #tpu.memory_space<vmem>> -> memref<1000x16xf32, #tpu.memory_space<vmem>>
        %dma_start3A_197 = tpu.memref_slice %arg5[%mul3A_191] : memref<10000xi32, #tpu.memory_space<vmem>> -> memref<1000xi32, #tpu.memory_space<vmem>>
        %dma_start3A_198 = arith.constant 0 : i32
        %dma_start3A_199 = arith.constant 0 : i32
        %dma_start3A_200 = tpu.memref_slice %arg2[%dma_start3A_198, %dma_start3A_199] : memref<80000x16xf32, #tpu.memory_space<hbm>> -> memref<80000x16xf32, #tpu.memory_space<hbm>>
        tpu.enqueue_indirect_dma source(%dma_start3A_200 : memref<80000x16xf32, #tpu.memory_space<hbm>>) target(%dma_start3A_196 : memref<1000x16xf32, #tpu.memory_space<vmem>>) offsets(%dma_start3A_197 : memref<1000xi32, #tpu.memory_space<vmem>>) semaphore(%arg10 : memref<!tpu.dma_semaphore, #tpu.memory_space<semaphore_mem>>)
        %dma_start3A_201 = arith.constant 1 : i32
        %dma_start3A_202 = arith.constant 0 : i32
        %dma_start3A_203 = arith.constant 0 : i32
        %dma_start3A_204 = tpu.memref_slice %arg8[%dma_start3A_201, %dma_start3A_202, %dma_start3A_203] : memref<2x1000x16xf32, #tpu.memory_space<vmem>> -> memref<1x1000x16xf32, #tpu.memory_space<vmem>>
        %dma_start3A_205 = tpu.memref_squeeze %dma_start3A_204 : memref<1x1000x16xf32, #tpu.memory_space<vmem>> -> memref<1000x16xf32, #tpu.memory_space<vmem>>
        %dma_start3A_206 = tpu.memref_slice %arg6[%mul3A_191] : memref<10000xi32, #tpu.memory_space<vmem>> -> memref<1000xi32, #tpu.memory_space<vmem>>
        %dma_start3A_207 = arith.constant 0 : i32
        %dma_start3A_208 = arith.constant 0 : i32
        %dma_start3A_209 = tpu.memref_slice %arg2[%dma_start3A_207, %dma_start3A_208] : memref<80000x16xf32, #tpu.memory_space<hbm>> -> memref<80000x16xf32, #tpu.memory_space<hbm>>
        tpu.enqueue_indirect_dma source(%dma_start3A_209 : memref<80000x16xf32, #tpu.memory_space<hbm>>) target(%dma_start3A_205 : memref<1000x16xf32, #tpu.memory_space<vmem>>) offsets(%dma_start3A_206 : memref<1000xi32, #tpu.memory_space<vmem>>) semaphore(%arg10 : memref<!tpu.dma_semaphore, #tpu.memory_space<semaphore_mem>>)
      } else {
      }
    }
    %scan3A_49 = arith.constant 5 : i32
    %dma_wait3A = arith.constant 0 : i32
    %dma_wait3A_50 = arith.constant 0 : i32
    %dma_wait3A_51 = arith.constant 0 : i32
    %dma_wait3A_52 = tpu.memref_slice %arg7[%dma_wait3A, %dma_wait3A_50, %dma_wait3A_51] : memref<2x1000x16xf32, #tpu.memory_space<vmem>> -> memref<1x1000x16xf32, #tpu.memory_space<vmem>>
    %dma_wait3A_53 = tpu.memref_squeeze %dma_wait3A_52 : memref<1x1000x16xf32, #tpu.memory_space<vmem>> -> memref<1000x16xf32, #tpu.memory_space<vmem>>
    %dma_wait3A_54 = arith.constant 0 : i32
    %dma_wait3A_55 = arith.constant 0 : i32
    %dma_wait3A_56 = tpu.memref_slice %arg4[%dma_wait3A_54, %dma_wait3A_55] : memref<320000x16xf32, #tpu.memory_space<hbm>> -> memref<1000x16xf32, #tpu.memory_space<hbm>>
    %dma_wait3A_57 = arith.constant 0 : i32
    %dma_wait3A_58 = arith.constant 0 : i32
    %dma_wait3A_59 = tpu.memref_slice %arg4[%dma_wait3A_57, %dma_wait3A_58] : memref<320000x16xf32, #tpu.memory_space<hbm>> -> memref<1000x16xf32, #tpu.memory_space<hbm>>
    %dma_wait3A_60 = arith.constant 0 : i32
    %dma_wait3A_61 = arith.constant 0 : i32
    %dma_wait3A_62 = tpu.memref_slice %arg7[%dma_wait3A, %dma_wait3A_60, %dma_wait3A_61] : memref<2x1000x16xf32, #tpu.memory_space<vmem>> -> memref<1x1000x16xf32, #tpu.memory_space<vmem>>
    %dma_wait3A_63 = tpu.memref_squeeze %dma_wait3A_62 : memref<1x1000x16xf32, #tpu.memory_space<vmem>> -> memref<1000x16xf32, #tpu.memory_space<vmem>>
    tpu.wait_dma2 semaphore(%arg11 : memref<!tpu.dma_semaphore, #tpu.memory_space<semaphore_mem>>) src(%dma_wait3A_63 : memref<1000x16xf32, #tpu.memory_space<vmem>>) dst(%dma_wait3A_59 : memref<1000x16xf32, #tpu.memory_space<hbm>>)
    %dma_wait3A_64 = arith.constant 1 : i32
    %dma_wait3A_65 = arith.constant 0 : i32
    %dma_wait3A_66 = arith.constant 0 : i32
    %dma_wait3A_67 = tpu.memref_slice %arg7[%dma_wait3A_64, %dma_wait3A_65, %dma_wait3A_66] : memref<2x1000x16xf32, #tpu.memory_space<vmem>> -> memref<1x1000x16xf32, #tpu.memory_space<vmem>>
    %dma_wait3A_68 = tpu.memref_squeeze %dma_wait3A_67 : memref<1x1000x16xf32, #tpu.memory_space<vmem>> -> memref<1000x16xf32, #tpu.memory_space<vmem>>
    %dma_wait3A_69 = arith.constant 0 : i32
    %dma_wait3A_70 = arith.constant 0 : i32
    %dma_wait3A_71 = tpu.memref_slice %arg4[%dma_wait3A_69, %dma_wait3A_70] : memref<320000x16xf32, #tpu.memory_space<hbm>> -> memref<1000x16xf32, #tpu.memory_space<hbm>>
    %dma_wait3A_72 = arith.constant 0 : i32
    %dma_wait3A_73 = arith.constant 0 : i32
    %dma_wait3A_74 = tpu.memref_slice %arg4[%dma_wait3A_72, %dma_wait3A_73] : memref<320000x16xf32, #tpu.memory_space<hbm>> -> memref<1000x16xf32, #tpu.memory_space<hbm>>
    %dma_wait3A_75 = arith.constant 0 : i32
    %dma_wait3A_76 = arith.constant 0 : i32
    %dma_wait3A_77 = tpu.memref_slice %arg7[%dma_wait3A_64, %dma_wait3A_75, %dma_wait3A_76] : memref<2x1000x16xf32, #tpu.memory_space<vmem>> -> memref<1x1000x16xf32, #tpu.memory_space<vmem>>
    %dma_wait3A_78 = tpu.memref_squeeze %dma_wait3A_77 : memref<1x1000x16xf32, #tpu.memory_space<vmem>> -> memref<1000x16xf32, #tpu.memory_space<vmem>>
    tpu.wait_dma2 semaphore(%arg12 : memref<!tpu.dma_semaphore, #tpu.memory_space<semaphore_mem>>) src(%dma_wait3A_78 : memref<1000x16xf32, #tpu.memory_space<vmem>>) dst(%dma_wait3A_74 : memref<1000x16xf32, #tpu.memory_space<hbm>>)
    return
  }
}

module attributes {stable_mosaic.version = 14 : i64} {
  func.func @_proj_body(%arg0: i32, %arg1: memref<2000x128xf32, #tpu.memory_space<vmem>>, %arg2: memref<128x128xf32, #tpu.memory_space<vmem>>, %arg3: memref<1x128xf32, #tpu.memory_space<vmem>>, %arg4: memref<2000x128xf32, #tpu.memory_space<vmem>>) attributes {dimension_semantics = [#tpu.dimension_semantics<arbitrary>], iteration_bounds = array<i64: 5>, scalar_prefetch = 0 : i64, scratch_operands = 0 : i64, tpu.core_type = #tpu.core_type<tc>, window_params = [{transform_indices = @transform_0, window_bounds = array<i64: 2000, 128>}, {pipeline_mode = #tpu.pipeline_mode<synchronous>, transform_indices = @transform_1, window_bounds = array<i64: 128, 128>}, {pipeline_mode = #tpu.pipeline_mode<synchronous>, transform_indices = @transform_2, window_bounds = array<i64: 1, 128>}, {transform_indices = @transform_3, window_bounds = array<i64: 2000, 128>}]} {
    %get3A = arith.constant 0 : index
    %get3A_0 = arith.constant 0 : index
    %get3A_1 = vector.load %arg1[%get3A, %get3A_0] : memref<2000x128xf32, #tpu.memory_space<vmem>>, vector<2000x128xf32>
    %get3A_2 = arith.constant 0 : index
    %get3A_3 = arith.constant 0 : index
    %get3A_4 = vector.load %arg2[%get3A_2, %get3A_3] : memref<128x128xf32, #tpu.memory_space<vmem>>, vector<128x128xf32>
    %dot_general3A = arith.constant dense<0.000000e+00> : vector<2000x128xf32>
    %dot_general3A_5 = tpu.matmul %get3A_1, %get3A_4, %dot_general3A {dimension_numbers = #tpu.dot_dimension_numbers<[1], [0], [0], [1], [0, 0, 1, 1], [], []>, transpose_lhs_hint = false} : vector<2000x128xf32>, vector<128x128xf32>, vector<2000x128xf32> -> vector<2000x128xf32>
    %get3A_6 = arith.constant 0 : index
    %get3A_7 = arith.constant 0 : index
    %get3A_8 = vector.load %arg3[%get3A_6, %get3A_7] : memref<1x128xf32, #tpu.memory_space<vmem>>, vector<1x128xf32>
    %add3A = vector.broadcast %get3A_8 : vector<1x128xf32> to vector<2000x128xf32>
    %add3A_9 = arith.addf %dot_general3A_5, %add3A : vector<2000x128xf32>
    %swap3A = arith.constant 0 : index
    %swap3A_10 = arith.constant 0 : index
    %swap3A_11 = vector.load %arg4[%swap3A, %swap3A_10] : memref<2000x128xf32, #tpu.memory_space<vmem>>, vector<2000x128xf32>
    tpu.vector_store %arg4[%swap3A, %swap3A_10], %add3A_9 {strides = array<i32>} : memref<2000x128xf32, #tpu.memory_space<vmem>>, vector<2000x128xf32>,
    return
  }
  func.func @transform_0(%arg0: i32) -> (i32, i32) {
    %c0_i32 = arith.constant 0 : i32
    %c0_i32_0 = arith.constant 0 : i32
    return %arg0, %c0_i32 : i32, i32
  }
  func.func @transform_1(%arg0: i32) -> (i32, i32) {
    %c0_i32 = arith.constant 0 : i32
    %c0_i32_0 = arith.constant 0 : i32
    %c0_i32_1 = arith.constant 0 : i32
    return %c0_i32, %c0_i32_0 : i32, i32
  }
  func.func @transform_2(%arg0: i32) -> (i32, i32) {
    %c0_i32 = arith.constant 0 : i32
    %c0_i32_0 = arith.constant 0 : i32
    %c0_i32_1 = arith.constant 0 : i32
    return %c0_i32, %c0_i32_0 : i32, i32
  }
  func.func @transform_3(%arg0: i32) -> (i32, i32) {
    %c0_i32 = arith.constant 0 : i32
    %c0_i32_0 = arith.constant 0 : i32
    return %arg0, %c0_i32 : i32, i32
  }
}

module attributes {stable_mosaic.version = 14 : i64} {
  func.func @_epi_body(%arg0: i32, %arg1: memref<16x32000xf32, #tpu.memory_space<vmem>>, %arg2: memref<16x32000xf32, #tpu.memory_space<vmem>>, %arg3: memref<16x16xf32, #tpu.memory_space<vmem>>, %arg4: memref<16x32000xf32, #tpu.memory_space<vmem>>) attributes {dimension_semantics = [#tpu.dimension_semantics<arbitrary>], iteration_bounds = array<i64: 10>, scalar_prefetch = 0 : i64, scratch_operands = 0 : i64, tpu.core_type = #tpu.core_type<tc>, window_params = [{transform_indices = @transform_0, window_bounds = array<i64: 16, 32000>}, {transform_indices = @transform_1, window_bounds = array<i64: 16, 32000>}, {pipeline_mode = #tpu.pipeline_mode<synchronous>, transform_indices = @transform_2, window_bounds = array<i64: 16, 16>}, {transform_indices = @transform_3, window_bounds = array<i64: 16, 32000>}]} {
    %get3A = arith.constant 0 : index
    %get3A_0 = arith.constant 0 : index
    %get3A_1 = vector.load %arg3[%get3A, %get3A_0] : memref<16x16xf32, #tpu.memory_space<vmem>>, vector<16x16xf32>
    %get3A_2 = arith.constant 0 : index
    %get3A_3 = arith.constant 0 : index
    %get3A_4 = vector.load %arg2[%get3A_2, %get3A_3] : memref<16x32000xf32, #tpu.memory_space<vmem>>, vector<16x32000xf32>
    %dot_general3A = arith.constant dense<0.000000e+00> : vector<16x32000xf32>
    %dot_general3A_5 = tpu.matmul %get3A_1, %get3A_4, %dot_general3A {dimension_numbers = #tpu.dot_dimension_numbers<[1], [0], [0], [1], [0, 0, 1, 1], [], []>, transpose_lhs_hint = false} : vector<16x16xf32>, vector<16x32000xf32>, vector<16x32000xf32> -> vector<16x32000xf32>
    %get3A_6 = arith.constant 0 : index
    %get3A_7 = arith.constant 0 : index
    %get3A_8 = vector.load %arg1[%get3A_6, %get3A_7] : memref<16x32000xf32, #tpu.memory_space<vmem>>, vector<16x32000xf32>
    %add3A = arith.addf %get3A_8, %dot_general3A_5 : vector<16x32000xf32>
    %max3A = arith.constant 0.000000e+00 : f32
    %max3A_9 = vector.broadcast %max3A : f32 to vector<16x32000xf32>
    %max3A_10 = arith.maximumf %add3A, %max3A_9 : vector<16x32000xf32>
    %swap3A = arith.constant 0 : index
    %swap3A_11 = arith.constant 0 : index
    %swap3A_12 = vector.load %arg4[%swap3A, %swap3A_11] : memref<16x32000xf32, #tpu.memory_space<vmem>>, vector<16x32000xf32>
    tpu.vector_store %arg4[%swap3A, %swap3A_11], %max3A_10 {strides = array<i32>} : memref<16x32000xf32, #tpu.memory_space<vmem>>, vector<16x32000xf32>,
    return
  }
  func.func @transform_0(%arg0: i32) -> (i32, i32) {
    %c0_i32 = arith.constant 0 : i32
    %c0_i32_0 = arith.constant 0 : i32
    return %c0_i32, %arg0 : i32, i32
  }
  func.func @transform_1(%arg0: i32) -> (i32, i32) {
    %c0_i32 = arith.constant 0 : i32
    %c0_i32_0 = arith.constant 0 : i32
    return %c0_i32, %arg0 : i32, i32
  }
  func.func @transform_2(%arg0: i32) -> (i32, i32) {
    %c0_i32 = arith.constant 0 : i32
    %c0_i32_0 = arith.constant 0 : i32
    %c0_i32_1 = arith.constant 0 : i32
    return %c0_i32, %c0_i32_0 : i32, i32
  }
  func.func @transform_3(%arg0: i32) -> (i32, i32) {
    %c0_i32 = arith.constant 0 : i32
    %c0_i32_0 = arith.constant 0 : i32
    return %c0_i32, %arg0 : i32, i32
  }
}

</mosaic_0001>

<sc_bundles>
// kernel: kernel.5.cloned.1.call-start
scs
__scs_entry_jumppad:
0x0: {  	(pc) =	sbr.rel $0x88, $3  }
0x1: {  	(tag) =	ssettag $0x0;
	lr =	simm.s32 $0x1  }
0x2: {  	[smem:$0x3F9A] =	sst lr;
	_ =	strace $0xD0000000  }
0x3: {  	_ = 	snop  }
0x4: {  	_ = 	snop  }
0x5: {  	_ = 	snop  }
0x6: {  	_ = 	snop  }
0x7: {  	_ = 	snop  }
__scs_overlays_trampoline_lowered:
0x8: {  	[smem:$0x3FA9] =	sst s0  }
0x9: {  	[smem:$0x3FAA] =	sst s1  }
0xa: {  	[smem:$0x3FAB] =	sst s2  }
0xb: {  	[smem:$0x3FAC] =	sst s3  }
0xc: {  	[smem:$0x3FAD] =	sst s4  }
0xd: {  	[smem:$0x3FAE] =	sst s5  }
0xe: {  	[smem:$0x3FAF] =	sst s6  }
0xf: {  	[smem:$0x3FB0] =	sst s7  }
0x10: {  	[smem:$0x3FB1] =	sst s8  }
0x11: {  	[smem:$0x3FB2] =	sst s9;
	s0 =	simm.s32 @!p0 $0x0  }
0x12: {  	s1 =	sld [smem:$0x3F98];
	s0 =	simm.s32 @p0 $0x1  }
0x13: {  	[smem:$0x3FB3] =	sst s0;
	s0 =	simm.s32 @!p1 $0x0  }
0x14: {  	s2 =	sld [smem:$0x3F97];
	s0 =	simm.s32 @p1 $0x1  }
0x15: {  	[smem:$0x3FB4] =	sst s0;
	s0 =	simm.s32 @!p2 $0x0  }
0x16: {  	s3 =	sld [smem:$0x3FDB];
	s0 =	simm.s32 @p2 $0x1  }
0x17: {  	s4 =	simm.s32 $0x1BF5;
	[smem:$0x3FB6] =	sst s0  }
0x18: {  	s0 =	sld [smem:$0x3F99];
	_ =	swait.ge [sflag:s4], $0x0  }
0x19: {  	s7 =	sld [smem:$0x3F9A]  }
0x1a: {  	s8 =	sadd.s32 $0xFFFFE003, lr  }
0x1b: {  	s9 =	sadd.s32 $0xFFFFFEF7, lr;
	s5 =	simm.s32 $0xFFFFFFFF;
	p2 =	slt.u32 s8, $0xFFFFF086  }
0x1c: {  	p1 =	slt.u32 s9, $0xF7A;
	s5 =	simm.s32 @!p2 $0x0  }
0x1d: {  	s5 =	simm.s32 @p1 $0x1;
	p0 =	seq.s32 s7, s2  }
0x1e: {  	s7 =	smul.u32 @!p0 $0xF7A, s2;
	p2 =	seq.s32 @!p0 s5, $0x0  }
0x1f: {  	s9 =	smul.u32 $0xF7A, s1;
	s8 =	simm.s32 @!p0 $0x1BF5;
	p2 =	por !p2, p0  }
0x20: {  	[sflag:s8] =	ssyncset.s32 @!p0 $0xFFFFF086;
	s6 =	sadd.s32 @!p0 s3, s7;
	s7 =	simm.s32 @!p0 $0x108  }
0x21: {  	s3 =	sadd.s32 s3, s9;
	s6 =	sadd.s32 @!p0 $0x88, s6;
	s7 =	simm.s32 @p2 $0x1082  }
0x22: {  	[simem:s7], [sflag:s8] =	dma.local @!p0 [hbm:s6], $0xF7A  }
0x23: {  	s9 =	sor.u32 $0xD0000000, s2;
	s6 =	simm.s32 $0x108;
	_ =	swait.ge @!p0 [sflag:s8], $0x0  }
0x24: {  	s3 =	sadd.s32 $0x88, s3;
	s6 =	simm.s32 @!p1 $0x1082;
	[sflag:s4] =	ssyncset.s32 $0xFFFFF086  }
0x25: {  	[simem:s6], [sflag:s4] =	dma.local [hbm:s3], $0xF7A  }
0x26: {  	[smem:$0x3F9A] =	sst s1;
	(tag) =	ssettag s2;
	_ =	strace s9  }
0x27: {  	s1 =	sld [smem:$0x3FAA]  }
0x28: {  	s2 =	sld [smem:$0x3FAB]  }
0x29: {  	s4 =	sld [smem:$0x3FAD]  }
0x2a: {  	p0 =	seq.s32 s5, $0x0;
	s5 =	sld [smem:$0x3FAE]  }
0x2b: {  	s6 =	sld [smem:$0x3FAF]  }
0x2c: {  	s7 =	sld [smem:$0x3FB0]  }
0x2d: {  	s3 =	simm.s32 $0x108;
	s8 =	sld [smem:$0x3FB1]  }
0x2e: {  	s3 =	simm.s32 @!p0 $0x1082;
	s9 =	sld [smem:$0x3FB2]  }
0x2f: {  	lr =	sadd.s32 s0, s3;
	s0 =	sld [smem:$0x3FA9]  }
0x30: {  	s3 =	sld [smem:$0x3FAC]  }
0x31: {  	[smem:$0x3FB5] =	sst s10  }
0x32: {  	s10 =	sld [smem:$0x3FB3];
	_ =	sdelay $0x3  }
0x33: {  	p0 =	seq.s32 s10, $0x1;
	s10 =	sld [smem:$0x3FB5];
	_ =	sdelay $0x3  }
0x34: {  	[smem:$0x3FB5] =	sst s10  }
0x35: {  	s10 =	sld [smem:$0x3FB4];
	_ =	sdelay $0x3  }
0x36: {  	p1 =	seq.s32 s10, $0x1;
	s10 =	sld [smem:$0x3FB5];
	_ =	sdelay $0x3  }
0x37: {  	[smem:$0x3FB5] =	sst s10  }
0x38: {  	s10 =	sld [smem:$0x3FB6]  }
0x39: {  	_ = 	snop;
	(pc) =	sbr.ind lr, $3  }
0x3a: {  	_ = 	snop  }
0x3b: {  	_ = 	snop  }
0x3c: {  	p2 =	seq.s32 s10, $0x1;
	s10 =	sld [smem:$0x3FB5]  }
0x3d: {  	_ =	shalt  }
0x3e: {  	_ =	shalt  }
0x3f: {  	_ =	shalt  }
0x40: {  	_ =	shalt  }
0x41: {  	_ =	shalt  }
0x42: {  	_ =	shalt  }
0x43: {  	_ =	shalt  }
0x44: {  	_ =	shalt  }
0x45: {  	_ =	shalt  }
0x46: {  	_ =	shalt  }
0x47: {  	_ =	shalt  }
0x48: {  	_ =	shalt  }
0x49: {  	_ =	shalt  }
0x4a: {  	_ =	shalt  }
0x4b: {  	_ =	shalt  }
0x4c: {  	_ =	shalt  }
0x4d: {  	_ =	shalt  }
0x4e: {  	_ =	shalt  }
0x4f: {  	_ =	shalt  }
0x50: {  	_ =	shalt  }
0x51: {  	_ =	shalt  }
0x52: {  	_ =	shalt  }
0x53: {  	_ =	shalt  }
0x54: {  	_ =	shalt  }
0x55: {  	_ =	shalt  }
0x56: {  	_ =	shalt  }
0x57: {  	_ =	shalt  }
0x58: {  	_ =	shalt  }
0x59: {  	_ =	shalt  }
0x5a: {  	_ =	shalt  }
0x5b: {  	_ =	shalt  }
0x5c: {  	_ =	shalt  }
0x5d: {  	_ =	shalt  }
0x5e: {  	_ =	shalt  }
0x5f: {  	_ =	shalt  }
0x60: {  	_ =	shalt  }
0x61: {  	_ =	shalt  }
0x62: {  	_ =	shalt  }
0x63: {  	_ =	shalt  }
0x64: {  	_ =	shalt  }
0x65: {  	_ =	shalt  }
0x66: {  	_ =	shalt  }
0x67: {  	_ =	shalt  }
0x68: {  	_ =	shalt  }
0x69: {  	_ =	shalt  }
0x6a: {  	_ =	shalt  }
0x6b: {  	_ =	shalt  }
0x6c: {  	_ =	shalt  }
0x6d: {  	_ =	shalt  }
0x6e: {  	_ =	shalt  }
0x6f: {  	_ =	shalt  }
0x70: {  	_ =	shalt  }
0x71: {  	_ =	shalt  }
0x72: {  	_ =	shalt  }
0x73: {  	_ =	shalt  }
0x74: {  	_ =	shalt  }
0x75: {  	_ =	shalt  }
0x76: {  	_ =	shalt  }
0x77: {  	_ =	shalt  }
0x78: {  	_ =	shalt  }
0x79: {  	_ =	shalt  }
0x7a: {  	_ =	shalt  }
0x7b: {  	_ =	shalt  }
0x7c: {  	_ =	shalt  }
0x7d: {  	_ =	shalt  }
0x7e: {  	_ =	shalt  }
0x7f: {  	_ =	shalt  }
0x80: {  	_ =	shalt  }
0x81: {  	_ =	shalt  }
0x82: {  	_ =	shalt  }
0x83: {  	_ =	shalt  }
0x84: {  	_ =	shalt  }
0x85: {  	_ =	shalt  }
0x86: {  	_ =	shalt  }
0x87: {  	_ =	shalt  }
.Lfunc_end0:
.L_simem_size_0:
called_computation_lowered:
.L_overlay_start_0:
0x88: {  	s2 =	sld [smem:$0x3FD9]  }
0x89: {  	s3 =	sld [smem:$0x3FFE];
	_ =	sdelay $0x1  }
0x8a: {  	s1 =	srdreg.scid  }
0x8b: {  	s0 =	sand.u32 $0x1, s1  }
0x8c: {  	s17 =	sshll.u32 s0, $0xA;
	s2 =	sadd.s32 s3, s2  }
0x8d: {  	s2 =	sadd.s32 s2, s17  }
0x8e: {  	[smem:$0x3FC1] =	sst s2  }
0x8f: {  	_ = 	snop  }
0x90: {  	s2 =	sld [smem:$0x3FD0];
	(tm) =	ssettm $0x1  }
0x91: {  	s18 =	sld [smem:$0x3FFB];
	_ =	sdelay $0x3  }
0x92: {  	_ =	strace s18  }
0x93: {  	s3 =	sld [smem:$0x3FFC];
	_ =	sdelay $0x3  }
0x94: {  	_ =	strace s3  }
0x95: {  	s3 =	sld [smem:$0x3FFD];
	_ =	sdelay $0x3  }
0x96: {  	_ =	strace s3  }
0x97: {  	_ =	strace $0x8FFFFFFF  }
0x98: {  	s19 =	sld [smem:$0x3FDB];
	_ =	sdelay $0x1  }
0x99: {  	s4 =	simm.s32 $_scs_section_size  }
0x9a: {  	s5 =	simm.s32 $_size__tile_overlayer_lowered;
	s6 =	simm.s32 $_tile_overlayer_lowered  }
0x9b: {  	s22 =	simm.s32 $0x1BFF;
	s21 =	sshll.u32 s6, $0x1;
	s3 =	sadd.s32 s4, s19  }
0x9c: {  	s7 =	simm.s32 $0x0;
	s20 =	sshll.u32 s5, $0x1;
	s5 =	sadd.s32 s21, s3  }
0x9d: {  	[timem:s7], [sflag:s22] =	dma.local [hbm:s5], s20  }
0x9e: {  	_ =	swait.ge [sflag:s22], s20  }
0x9f: {  	s4 =	ssub.s32 $0x0, s20;
	[sflag:s22] =	ssyncset.done $0x0  }
0xa0: {  	[sflag:s22] =	ssyncadd.s32 s4;
	_ =	sdelay $0x1  }
0xa1: {  	s23 =	simm.s32 $0x1B8B  }
0xa2: {  	_ =	swait.ge [sflag:s23], $0x1  }
0xa3: {  	[sflag:s23] =	ssyncset.done $0x0  }
0xa4: {  	s25 =	simm.s32 $0x1B8E;
	s24 =	sld [smem:$0x3FFE];
	[sflag:s23] =	ssyncadd.s32 $0xFFFFFFFF  }
0xa5: {  	s26 =	simm.s32 $execute0_lowered;
	[smem:$0x3FD2] =	sst s25  }
0xa6: {  	s5 =	sshll.u32 s26, $0x1;
	_ =	strace $0x80000046;
	[dreg:$0x1] =	wrdreg $0xFFFFFFFF  }
0xa7: {  	s28 =	simm.s32 $_size_execute0_lowered;
	s3 =	sadd.s32 s3, s5;
	[dreg:$0x0] =	wrdreg $0x0  }
0xa8: {  	s5 =	sshll.u32 s28, $0x1;
	[dreg:$0x2] =	wrdreg s3  }
0xa9: {  	[dreg:$0x3] =	wrdreg s5  }
0xaa: {  	[dreg:$0x4] =	wrdreg $0xC0  }
0xab: {  	_ =	task [dreg:s7], $0x5FFFF  }
0xac: {  	[dreg:$0x1] =	wrdreg $0xFFFFFFFF  }
0xad: {  	[dreg:$0x0] =	wrdreg $0x60  }
0xae: {  	[dreg:$0x2] =	wrdreg s24  }
0xaf: {  	[dreg:$0x3] =	wrdreg s2  }
0xb0: {  	[dreg:$0x4] =	wrdreg $0x9  }
0xb1: {  	_ =	task.clear_ibuf [dreg:s7], $0x5FFFF;
	_ =	strace $0x90000046  }
0xb2: {  	s29 =	simm.s32 $0x9;
	_ =	strace $0x80000048  }
0xb3: {  	_ =	swait.ge [sflag:s29], $0x1  }
0xb4: {  	[sflag:s29] =	ssyncadd.s32 $0xFFFFFFFF  }
0xb5: {  	_ =	strace $0x90000048  }
0xb6: {  	_ =	sfence  }
0xb7: {  	s30 =	sld [smem:$0x0];
	_ =	sdelay $0x2  }
0xb8: {  	s31 =	sshll.u32 s1, $0xD;
	s1 =	sshrl.u32 s1, $0x2  }
0xb9: {  	s3 =	sand.u32 $0x4000, s31;
	s1 =	sadd.s32 s1, s30  }
0xba: {  	s0 =	sor.u32 s3, s0;
	s1 =	sshll.u32 s1, $0x11  }
0xbb: {  	s0 =	sor.u32 s1, s0  }
0xbc: {  	s0 =	sadd.s32 $0x8F2B, s0  }
0xbd: {  	[sflag:s0] =	ssyncadd.remote.s32 $0x1  }
0xbe: {  	_ =	sfence.sel $0xFFFF  }
0xbf: {  	[dreg:$0x0] =	wrdreg $0xFFFFFFFF;
	(pc) =	sbr.abs _section_cstart, $3  }
0xc0: {  	[dreg:$0x1] =	wrdreg $0xFFFFFFFF  }
0xc1: {  	_ =	task.clear_ibuf [dreg:s7], $0x2FFFF;
	_ =	strace $0x9FFFFFFF  }
0xc2: {  	(tm) =	ssettm $0x7FFFFFFF  }
0xc3: {  	_ =	shalt  }
tec
execute0_lowered:
.L_overlay_start_1:
0x0: {  	(tag) =	ssettag $0x1  }
0x1: {  	s1 =	srdreg.scid  }
0x2: {  	s0 =	stileid.u32;
	s6 =	rddreg [dreg:$0x0]  }
0x3: {  	s2 =	rddreg [dreg:$0x1];
	s3 =	simm.s32 $0x0;
	s10 =	simm.s32 $0x5  }
0x4: {  	s11 =	simm.s32 $0x2710;
	s12 =	simm.s32 $0x3E8;
	s13 =	simm.s32 $0x4E20  }
0x5: {  	s14 =	simm.s32 $0xCB20;
	s15 =	simm.s32 $0x8CA0;
	s16 =	simm.s32 $0x2AF8  }
0x6: {  	s17 =	simm.s32 $0x109A0;
	s5 =	sand.u32 $0x1, s1;
	s30 =	sshll.u32 s0, $0x1  }
0x7: {  	s18 =	simm.s32 $0x1;
	s19 =	simm.s32 $0x2;
	s4 =	sor.u32 s5, s30  }
0x8: {  	s20 =	simm.s32 $0x3;
	s21 =	simm.s32 $0x4;
	s4 =	smul.u32 $0x2710, s4  }
.Ltmp0:
0x9: {  	s22 =	simm.s32 $0x0;
	[smem:$0x7FF] =	sst s3;
	(pc) =	sbr.rel .LBB2_1-.Ltmp0, $4  }
0xa: {  	s1 =	rddreg [dreg:$0x2];
	_ =	strace $0x80000047;
	s8 =	ssub.s32 $0x2, s5  }
0xb: {  	s5 =	sadd.s32 $0x13E00, s6;
	s31 =	sshrl.u32 s8, $0x1;
	s7 =	sshrl.u32 s4, $0x3  }
0xc: {  	s9 =	ssub.s32 s8, s31;
	s8 =	sadd.s32 $0x3E8, s4;
	s7 =	sadd.s32 s7, s6  }
0xd: {  	s9 =	smax.u32 s9, $0x1;
	s6 =	sadd.s32 $0x400, s7;
	s7 =	sadd.s32 $0xA040, s7  }
.LBB2_10:
0xe: {  	s22 =	sadd.s32 $0x1, s22  }
0xf: {  	_ =	swait.ge [sflag:s20], $0x3E80;
	p0 =	sne.s32 s22, s9  }
.Ltmp1:
0x10: {  	[sflag:s20] =	ssyncset.done $0x0;
	(pc) =	sbr.rel @!p0 .LBB2_11-.Ltmp1, $4  }
0x11: {  	[sflag:s20] =	ssyncadd.s32 $0xFFFFC180  }
0x12: {  	_ =	swait.ge [sflag:s21], $0x3E80  }
0x13: {  	[sflag:s21] =	ssyncset.done $0x0  }
0x14: {  	[sflag:s21] =	ssyncadd.s32 $0xFFFFC180  }
.LBB2_1:
0x15: {  	[tilespmem:s3], [sflag:$0x5] =	stream.linear.gather [hbm4b:s6+s3], $0x2710, $0x38;
	[tilespmem:$0x14820] =	vst v63  }
0x16: {  	_ =	swait.ge [sflag:s10], $0x2710  }
0x17: {  	[sflag:s10] =	ssyncset.done $0x0  }
0x18: {  	[sflag:s10] =	ssyncadd.s32 $0xFFFFD8F0  }
0x19: {  	[tilespmem:s11], [sflag:$0x5] =	stream.linear.gather [hbm4b:s7+s3], $0x2710, $0x38;
	[tilespmem:$0x14820] =	vst v63  }
0x1a: {  	_ =	swait.ge [sflag:s10], $0x2710  }
0x1b: {  	[sflag:s10] =	ssyncset.done $0x0  }
0x1c: {  	s24 =	simm.s32 $0x40;
	[sflag:s10] =	ssyncadd.s32 $0xFFFFD8F0  }
0x1d: {  	v0 =	vld [tilespmem:s24+$0x30]  }
0x1e: {  	v1 =	vld [tilespmem:s24+$0xFFFFFFD0]  }
0x1f: {  	v2 =	vld [tilespmem:s24+$0xFFFFFFE0]  }
0x20: {  	v3 =	vld [tilespmem:s24+$0xFFFFFFF0]  }
0x21: {  	v4 =	vld [tilespmem:s24+$0x0]  }
0x22: {  	v5 =	vld [tilespmem:s24+$0x10];
	v0 =	vshll.u32 v0, $0x3  }
0x23: {  	s23 =	simm.s32 $0x2750;
	v6 =	vld [tilespmem:s24+$0x20];
	[tilespmem:s24+$0x30] =	vst v0  }
0x24: {  	v0 =	vshll.u32 v1, $0x3;
	v1 =	vld [tilespmem:s23+$0x30]  }
0x25: {  	[tilespmem:s24+$0xFFFFFFD0] =	vst v0;
	v0 =	vshll.u32 v2, $0x3;
	v2 =	vld [tilespmem:s24+$0xFFFFFFC0]  }
0x26: {  	[tilespmem:s24+$0xFFFFFFE0] =	vst v0;
	v0 =	vshll.u32 v3, $0x3  }
0x27: {  	v3 =	vld [tilespmem:s23+$0xFFFFFFD0];
	[tilespmem:s24+$0xFFFFFFF0] =	vst v0;
	v0 =	vshll.u32 v4, $0x3  }
0x28: {  	v4 =	vld [tilespmem:s23+$0xFFFFFFE0];
	[tilespmem:s24+$0x0] =	vst v0;
	v0 =	vshll.u32 v5, $0x3  }
0x29: {  	v5 =	vld [tilespmem:s23+$0xFFFFFFF0];
	[tilespmem:s24+$0x10] =	vst v0;
	v0 =	vshll.u32 v6, $0x3  }
0x2a: {  	v6 =	vld [tilespmem:s23+$0x0];
	v1 =	vshll.u32 v1, $0x3;
	[tilespmem:s24+$0x20] =	vst v0;
	v2 =	vshll.u32 v2, $0x3  }
0x2b: {  	s26 =	simm.s32 $0xC0;
	v0 =	vor.u32 $0x1, v1;
	v1 =	vld [tilespmem:s23+$0x10];
	[tilespmem:s24+$0xFFFFFFC0] =	vst v2  }
0x2c: {  	v2 =	vld [tilespmem:s26+$0x30];
	[tilespmem:s23+$0x30] =	vst v0;
	v0 =	vshll.u32 v3, $0x3  }
0x2d: {  	v7 =	vld [tilespmem:s26+$0xFFFFFFD0];
	v4 =	vshll.u32 v4, $0x3;
	v0 =	vor.u32 $0x1, v0  }
0x2e: {  	v3 =	vld [tilespmem:s23+$0x20];
	[tilespmem:s23+$0xFFFFFFD0] =	vst v0;
	v0 =	vor.u32 $0x1, v4;
	v4 =	vshll.u32 v5, $0x3  }
0x2f: {  	v5 =	vld [tilespmem:s26+$0xFFFFFFE0];
	[tilespmem:s23+$0xFFFFFFE0] =	vst v0;
	v0 =	vor.u32 $0x1, v4;
	v4 =	vshll.u32 v6, $0x3  }
0x30: {  	v6 =	vld [tilespmem:s26+$0xFFFFFFF0];
	[tilespmem:s23+$0xFFFFFFF0] =	vst v0;
	v0 =	vor.u32 $0x1, v4  }
0x31: {  	v1 =	vshll.u32 v1, $0x3;
	v4 =	vld [tilespmem:s26+$0x0];
	v2 =	vshll.u32 v2, $0x3;
	[tilespmem:s23+$0x0] =	vst v0  }
0x32: {  	v0 =	vor.u32 $0x1, v1;
	v1 =	vld [tilespmem:s26+$0x10];
	[tilespmem:s26+$0x30] =	vst v2  }
0x33: {  	s24 =	simm.s32 $0x27D0;
	[tilespmem:s23+$0x10] =	vst v0;
	v0 =	vshll.u32 v7, $0x3;
	v7 =	vld [tilespmem:s26+$0x20]  }
0x34: {  	v2 =	vld [tilespmem:s24+$0x30];
	[tilespmem:s26+$0xFFFFFFD0] =	vst v0;
	v0 =	vshll.u32 v5, $0x3  }
0x35: {  	v5 =	vld [tilespmem:s26+$0xFFFFFFC0];
	[tilespmem:s26+$0xFFFFFFE0] =	vst v0;
	v0 =	vshll.u32 v6, $0x3  }
0x36: {  	v6 =	vld [tilespmem:s23+$0xFFFFFFC0];
	[tilespmem:s26+$0xFFFFFFF0] =	vst v0;
	v0 =	vshll.u32 v4, $0x3  }
0x37: {  	v8 =	vld [tilespmem:s24+$0xFFFFFFD0];
	[tilespmem:s26+$0x0] =	vst v0;
	v0 =	vshll.u32 v1, $0x3  }
0x38: {  	v4 =	vld [tilespmem:s24+$0xFFFFFFE0];
	v1 =	vshll.u32 v3, $0x3;
	[tilespmem:s26+$0x10] =	vst v0;
	v3 =	vshll.u32 v7, $0x3  }
0x39: {  	v7 =	vor.u32 $0x1, v1;
	v0 =	vld [tilespmem:s24+$0xFFFFFFF0];
	v2 =	vshll.u32 v2, $0x3;
	[tilespmem:s26+$0x20] =	vst v3  }
0x3a: {  	v1 =	vld [tilespmem:s24+$0x0];
	v3 =	vor.u32 $0x1, v2;
	[tilespmem:s23+$0x20] =	vst v7  }
0x3b: {  	v5 =	vshll.u32 v5, $0x3;
	v2 =	vld [tilespmem:s24+$0x10];
	[tilespmem:s24+$0x30] =	vst v3;
	v6 =	vshll.u32 v6, $0x3  }
0x3c: {  	s25 =	simm.s32 $0x8;
	[tilespmem:s26+$0xFFFFFFC0] =	vst v5;
	v5 =	vshll.u32 v8, $0x3;
	v3 =	vld [tilespmem:s24+$0x20];
	s26 =	simm.s32 $0x140;
	v6 =	vor.u32 $0x1, v6  }
.LBB2_2:
0x3d: {  	v7 =	vld [tilespmem:s26+$0x30];
	s25 =	sadd.s32 $0x8, s25;
	v5 =	vor.u32 $0x1, v5;
	v4 =	vshll.u32 v4, $0x3;
	[tilespmem:s23+$0xFFFFFFC0] =	vst v6;
	s23 =	smov.u32 s24  }
0x3e: {  	v6 =	vld [tilespmem:s26+$0xFFFFFFD0];
	p0 =	slt.u32 s25, $0x268;
	[tilespmem:s24+$0xFFFFFFD0] =	vst v5;
	v4 =	vor.u32 $0x1, v4;
	v0 =	vshll.u32 v0, $0x3  }
0x3f: {  	v5 =	vld [tilespmem:s26+$0xFFFFFFE0];
	[tilespmem:s24+$0xFFFFFFE0] =	vst v4;
	v0 =	vor.u32 $0x1, v0;
	v1 =	vshll.u32 v1, $0x3  }
0x40: {  	v4 =	vld [tilespmem:s26+$0xFFFFFFF0];
	[tilespmem:s24+$0xFFFFFFF0] =	vst v0;
	v0 =	vor.u32 $0x1, v1;
	v1 =	vshll.u32 v2, $0x3  }
0x41: {  	v2 =	vld [tilespmem:s26+$0x0];
	[tilespmem:s24+$0x0] =	vst v0;
	v0 =	vor.u32 $0x1, v1;
	v1 =	vshll.u32 v3, $0x3  }
0x42: {  	v3 =	vld [tilespmem:s26+$0x10];
	v7 =	vshll.u32 v7, $0x3;
	[tilespmem:s24+$0x10] =	vst v0;
	v8 =	vor.u32 $0x1, v1  }
0x43: {  	s24 =	sadd.s32 $0x80, s24;
	v0 =	vshll.u32 v6, $0x3;
	v1 =	vld [tilespmem:s26+$0x20];
	[tilespmem:s26+$0x30] =	vst v7  }
0x44: {  	[tilespmem:s26+$0xFFFFFFD0] =	vst v0;
	v0 =	vshll.u32 v5, $0x3;
	v5 =	vld [tilespmem:s24+$0x30]  }
0x45: {  	v6 =	vld [tilespmem:s26+$0xFFFFFFC0];
	[tilespmem:s26+$0xFFFFFFE0] =	vst v0;
	v0 =	vshll.u32 v4, $0x3  }
0x46: {  	[tilespmem:s26+$0xFFFFFFF0] =	vst v0;
	v0 =	vshll.u32 v2, $0x3;
	v7 =	vld [tilespmem:s23+$0xFFFFFFC0]  }
0x47: {  	v9 =	vld [tilespmem:s24+$0xFFFFFFD0];
	[tilespmem:s26+$0x0] =	vst v0;
	v0 =	vshll.u32 v3, $0x3  }
.Ltmp2:
0x48: {  	v4 =	vld [tilespmem:s24+$0xFFFFFFE0];
	[tilespmem:s26+$0x10] =	vst v0;
	v1 =	vshll.u32 v1, $0x3;
	(pc) =	sbr.rel @p0 .LBB2_2-.Ltmp2, $4  }
0x49: {  	v0 =	vld [tilespmem:s24+$0xFFFFFFF0];
	[tilespmem:s26+$0x20] =	vst v1;
	v2 =	vshll.u32 v5, $0x3  }
0x4a: {  	v3 =	vshll.u32 v6, $0x3;
	v1 =	vld [tilespmem:s24+$0x0];
	v5 =	vor.u32 $0x1, v2;
	[tilespmem:s23+$0x20] =	vst v8  }
0x4b: {  	v2 =	vld [tilespmem:s24+$0x10];
	[tilespmem:s24+$0x30] =	vst v5;
	v6 =	vshll.u32 v7, $0x3  }
0x4c: {  	[tilespmem:s26+$0xFFFFFFC0] =	vst v3;
	v5 =	vshll.u32 v9, $0x3;
	v3 =	vld [tilespmem:s24+$0x20];
	s26 =	sadd.s32 $0x80, s26;
	v6 =	vor.u32 $0x1, v6  }
0x4d: {  	v5 =	vor.u32 $0x1, v5;
	v4 =	vshll.u32 v4, $0x3;
	[tilespmem:s23+$0xFFFFFFC0] =	vst v6;
	v54 =	vld [tilespmem:s24+$0xFFFFFFC0]  }
0x4e: {  	[tilespmem:s24+$0xFFFFFFD0] =	vst v5;
	v4 =	vor.u32 $0x1, v4;
	v0 =	vshll.u32 v0, $0x3  }
0x4f: {  	[tilespmem:s24+$0xFFFFFFE0] =	vst v4;
	v0 =	vor.u32 $0x1, v0;
	v1 =	vshll.u32 v1, $0x3  }
0x50: {  	[tilespmem:s24+$0xFFFFFFF0] =	vst v0;
	v55 =	vor.u32 $0x1, v1;
	v56 =	vshll.u32 v2, $0x3  }
0x51: {  	[tilespmem:s24+$0x0] =	vst v55;
	v57 =	vor.u32 $0x1, v56;
	v58 =	vshll.u32 v3, $0x3  }
0x52: {  	[tilespmem:s24+$0x10] =	vst v57;
	v59 =	vor.u32 $0x1, v58;
	v60 =	vshll.u32 v54, $0x3  }
0x53: {  	[tilespmem:s24+$0x20] =	vst v59;
	v61 =	vor.u32 $0x1, v60  }
0x54: {  	[tilespmem:s24+$0xFFFFFFC0] =	vst v61  }
0x55: {  	v0 =	vld [tilespmem:$0x2700]  }
0x56: {  	v62 =	vld [tilespmem:$0x4E10];
	_ =	sdelay $0x4  }
0x57: {  	v0 =	vshll.u32 v0, $0x3;
	v1 =	vshll.u32 v62, $0x3  }
0x58: {  	[tilespmem:$0x2700] =	vst v0;
	v63 =	vor.u32 $0x1, v1  }
0x59: {  	s23 =	simm.s32 $0x0;
	[tilespmem:$0x4E10] =	vst v63  }
0x5a: {  	[tilespmem:s13], [sflag:$0x1] =	stream.indirect.gather [hbm4b:s5+s12], $0x10, s23, s12, $0xb8;
	[tilespmem:$0x14820] =	vst v63  }
0x5b: {  	_ = 	snop  }
0x5c: {  	[tilespmem:s14], [sflag:$0x1] =	stream.indirect.gather [hbm4b:s5+s12], $0x10, s11, s12, $0xb8;
	[tilespmem:$0x14820] =	vst v63  }
0x5d: {  	_ = 	snop  }
0x5e: {  	[tilespmem:s15], [sflag:$0x2] =	stream.indirect.gather [hbm4b:s5+s12], $0x10, s12, s12, $0xb8;
	[tilespmem:$0x14820] =	vst v63  }
0x5f: {  	_ = 	snop  }
0x60: {  	[tilespmem:s17], [sflag:$0x2] =	stream.indirect.gather [hbm4b:s5+s12], $0x10, s16, s12, $0xb8;
	[tilespmem:$0x14820] =	vst v63  }
.LBB2_4:
0x61: {  	_ =	swait.ge [sflag:s18], $0x3E80  }
0x62: {  	[sflag:s18] =	ssyncset.done $0x0  }
0x63: {  	[sflag:s18] =	ssyncadd.s32 $0xFFFFC180  }
0x64: {  	_ =	swait.ge [sflag:s18], $0x3E80  }
0x65: {  	p0 =	seq.s32 s23, $0x0;
	[sflag:s18] =	ssyncset.done $0x0  }
0x66: {  	s24 =	simm.s32 @!p0 $0x3;
	[sflag:s18] =	ssyncadd.s32 $0xFFFFC180  }
0x67: {  	_ =	swait.ge @!p0 [sflag:s24], $0x3E80  }
0x68: {  	[sflag:s24] =	ssyncset.done @!p0 $0x0  }
0x69: {  	s25 =	simm.s32 $0x4E60;
	[sflag:s24] =	ssyncadd.s32 @!p0 $0xFFFFC180  }
0x6a: {  	s24 =	simm.s32 $0xCB60;
	v1 =	vld [tilespmem:s25+$0x30]  }
0x6b: {  	v2 =	vld [tilespmem:s24+$0x30]  }
0x6c: {  	v0 =	vld [tilespmem:s24+$0xFFFFFFC0]  }
0x6d: {  	v3 =	vld [tilespmem:s25+$0xFFFFFFD0]  }
0x6e: {  	v4 =	vld [tilespmem:s24+$0xFFFFFFD0]  }
0x6f: {  	v5 =	vld [tilespmem:s25+$0xFFFFFFE0]  }
0x70: {  	v6 =	vld [tilespmem:s24+$0xFFFFFFE0]  }
0x71: {  	v7 =	vld [tilespmem:s25+$0xFFFFFFF0]  }
0x72: {  	v8 =	vld [tilespmem:s24+$0xFFFFFFF0]  }
0x73: {  	v9 =	vld [tilespmem:s25+$0x0]  }
0x74: {  	v10 =	vld [tilespmem:s24+$0x0];
	v2 =	vadd.f32 v2, v1  }
0x75: {  	v4 =	vadd.f32 v4, v3;
	v1 =	vld [tilespmem:s25+$0x10]  }
0x76: {  	v5 =	vadd.f32 v6, v5;
	v3 =	vld [tilespmem:s24+$0x10];
	[tilespmem:s25+$0x30] =	vst v2  }
0x77: {  	v6 =	vadd.f32 v8, v7;
	[tilespmem:s25+$0xFFFFFFD0] =	vst v4;
	v2 =	vld [tilespmem:s25+$0x20]  }
0x78: {  	[tilespmem:s25+$0xFFFFFFE0] =	vst v5;
	v5 =	vld [tilespmem:s24+$0x20]  }
0x79: {  	s26 =	simm.s32 $0x0;
	s28 =	simm.s32 $0x4EE0;
	v4 =	vld [tilespmem:s25+$0xFFFFFFC0];
	[tilespmem:s25+$0xFFFFFFF0] =	vst v6;
	v6 =	vadd.f32 v10, v9  }
.LBB2_5:
0x7a: {  	v7 =	vld [tilespmem:s28+$0x30];
	s24 =	sadd.s32 $0x80, s24  }
0x7b: {  	s26 =	sadd.s32 $0x8, s26;
	v8 =	vld [tilespmem:s24+$0x30];
	[tilespmem:s25+$0x0] =	vst v6;
	v1 =	vadd.f32 v3, v1  }
0x7c: {  	p1 =	slt.u32 s26, $0x3E0;
	v3 =	vld [tilespmem:s24+$0xFFFFFFC0]  }
0x7d: {  	v6 =	vld [tilespmem:s28+$0xFFFFFFD0];
	[tilespmem:s25+$0x10] =	vst v1;
	v1 =	vadd.f32 v5, v2  }
0x7e: {  	v2 =	vld [tilespmem:s24+$0xFFFFFFD0];
	v9 =	vadd.f32 v0, v4  }
0x7f: {  	v4 =	vld [tilespmem:s28+$0xFFFFFFE0];
	[tilespmem:s25+$0x20] =	vst v1  }
0x80: {  	v1 =	vld [tilespmem:s24+$0xFFFFFFE0];
	v5 =	vadd.f32 v8, v7;
	[tilespmem:s25+$0xFFFFFFC0] =	vst v9;
	s25 =	smov.u32 s28  }
0x81: {  	v7 =	vld [tilespmem:s28+$0xFFFFFFF0];
	v0 =	vmov v3  }
0x82: {  	v8 =	vld [tilespmem:s24+$0xFFFFFFF0];
	[tilespmem:s28+$0x30] =	vst v5  }
0x83: {  	v2 =	vadd.f32 v2, v6;
	v6 =	vld [tilespmem:s28+$0x0]  }
0x84: {  	v9 =	vld [tilespmem:s24+$0x0]  }
.Ltmp3:
0x85: {  	[tilespmem:s28+$0xFFFFFFD0] =	vst v2;
	v2 =	vadd.f32 v1, v4;
	v1 =	vld [tilespmem:s28+$0x10];
	(pc) =	sbr.rel @p1 .LBB2_5-.Ltmp3, $4  }
0x86: {  	v3 =	vld [tilespmem:s24+$0x10]  }
0x87: {  	[tilespmem:s28+$0xFFFFFFE0] =	vst v2;
	v7 =	vadd.f32 v8, v7;
	v2 =	vld [tilespmem:s28+$0x20]  }
0x88: {  	v5 =	vld [tilespmem:s24+$0x20]  }
0x89: {  	s28 =	sadd.s32 $0x80, s28;
	v4 =	vld [tilespmem:s25+$0xFFFFFFC0];
	[tilespmem:s25+$0xFFFFFFF0] =	vst v7;
	v6 =	vadd.f32 v9, v6  }
0x8a: {  	_ =	sdelay $0x1  }
0x8b: {  	s24 =	smul.u32 $0x7D0, s23;
	v1 =	vadd.f32 v3, v1  }
0x8c: {  	[tilespmem:s25+$0x0] =	vst v6;
	v2 =	vadd.f32 v5, v2  }
0x8d: {  	s26 =	sadd.s32 s4, s24;
	[tilespmem:s25+$0x10] =	vst v1;
	v0 =	vadd.f32 v0, v4  }
0x8e: {  	s26 =	sshll.u32 s26, $0x1;
	[tilespmem:s25+$0x20] =	vst v2  }
0x8f: {  	p1 =	seq.s32 s23, $0x4;
	s31 =	sadd.s32 s2, s26;
	[tilespmem:s25+$0xFFFFFFC0] =	vst v0  }
0x90: {  	[hbm4b:s31+s3] =	stream.linear.scatter [tilespmem:s13], [sflag:$0x3], $0x3E80, $0x38;
	[tilespmem:$0x14820] =	vst v63  }
0x91: {  	s28 =	simm.s32 @!p1 $0x4E20;
	s26 =	simm.s32 @!p1 $0x3E8;
	s25 =	sadd.s32 @!p1 $0x7D0, s24  }
0x92: {  	[tilespmem:s28], [sflag:$0x1] =	stream.indirect.gather @!p1 [hbm4b:s5+s26], $0x10, s25, s26, $0xb8;
	[tilespmem:$0x14820] =	vst v63  }
0x93: {  	s25 =	sadd.s32 @!p1 $0x2EE0, s24;
	s28 =	simm.s32 @!p1 $0xCB20  }
0x94: {  	[tilespmem:s28], [sflag:$0x1] =	stream.indirect.gather @!p1 [hbm4b:s5+s26], $0x10, s25, s26, $0xb8;
	[tilespmem:$0x14820] =	vst v63  }
0x95: {  	_ =	swait.ge [sflag:s19], $0x3E80  }
0x96: {  	[sflag:s19] =	ssyncset.done $0x0  }
0x97: {  	[sflag:s19] =	ssyncadd.s32 $0xFFFFC180  }
0x98: {  	_ =	swait.ge [sflag:s19], $0x3E80  }
0x99: {  	[sflag:s19] =	ssyncset.done $0x0  }
0x9a: {  	s25 =	simm.s32 @!p0 $0x4;
	[sflag:s19] =	ssyncadd.s32 $0xFFFFC180  }
0x9b: {  	_ =	swait.ge @!p0 [sflag:s25], $0x3E80  }
0x9c: {  	[sflag:s25] =	ssyncset.done @!p0 $0x0  }
0x9d: {  	[sflag:s25] =	ssyncadd.s32 @!p0 $0xFFFFC180;
	s25 =	simm.s32 $0x8D10  }
0x9e: {  	s26 =	simm.s32 $0x10A10;
	v1 =	vld [tilespmem:s25+$0x0]  }
0x9f: {  	v2 =	vld [tilespmem:s26+$0x0]  }
0xa0: {  	v0 =	vld [tilespmem:s26+$0xFFFFFF90]  }
0xa1: {  	v3 =	vld [tilespmem:s25+$0xFFFFFFA0]  }
0xa2: {  	v4 =	vld [tilespmem:s26+$0xFFFFFFA0]  }
0xa3: {  	v5 =	vld [tilespmem:s25+$0xFFFFFFB0]  }
0xa4: {  	v6 =	vld [tilespmem:s26+$0xFFFFFFB0]  }
0xa5: {  	v7 =	vld [tilespmem:s25+$0xFFFFFFC0]  }
0xa6: {  	v8 =	vld [tilespmem:s26+$0xFFFFFFC0]  }
0xa7: {  	v9 =	vld [tilespmem:s25+$0xFFFFFFD0]  }
0xa8: {  	v10 =	vld [tilespmem:s26+$0xFFFFFFD0];
	v2 =	vadd.f32 v2, v1  }
0xa9: {  	v4 =	vadd.f32 v4, v3;
	v1 =	vld [tilespmem:s25+$0xFFFFFFE0]  }
0xaa: {  	v5 =	vadd.f32 v6, v5;
	v3 =	vld [tilespmem:s26+$0xFFFFFFE0];
	[tilespmem:s25+$0x0] =	vst v2  }
0xab: {  	v6 =	vadd.f32 v8, v7;
	[tilespmem:s25+$0xFFFFFFA0] =	vst v4;
	v2 =	vld [tilespmem:s25+$0xFFFFFFF0]  }
0xac: {  	[tilespmem:s25+$0xFFFFFFB0] =	vst v5;
	v5 =	vld [tilespmem:s26+$0xFFFFFFF0]  }
0xad: {  	s29 =	simm.s32 $0x8D90;
	s28 =	simm.s32 $0x0;
	v4 =	vld [tilespmem:s25+$0xFFFFFF90];
	[tilespmem:s25+$0xFFFFFFC0] =	vst v6;
	v6 =	vadd.f32 v10, v9  }
.LBB2_7:
0xae: {  	v7 =	vld [tilespmem:s29+$0x0];
	s26 =	sadd.s32 $0x80, s26  }
0xaf: {  	s28 =	sadd.s32 $0x8, s28;
	v8 =	vld [tilespmem:s26+$0x0];
	[tilespmem:s25+$0xFFFFFFD0] =	vst v6;
	v1 =	vadd.f32 v3, v1  }
0xb0: {  	p0 =	slt.u32 s28, $0x3E0;
	v3 =	vld [tilespmem:s26+$0xFFFFFF90]  }
0xb1: {  	v6 =	vld [tilespmem:s29+$0xFFFFFFA0];
	[tilespmem:s25+$0xFFFFFFE0] =	vst v1;
	v1 =	vadd.f32 v5, v2  }
0xb2: {  	v2 =	vld [tilespmem:s26+$0xFFFFFFA0];
	v9 =	vadd.f32 v0, v4  }
0xb3: {  	v4 =	vld [tilespmem:s29+$0xFFFFFFB0];
	[tilespmem:s25+$0xFFFFFFF0] =	vst v1  }
0xb4: {  	v1 =	vld [tilespmem:s26+$0xFFFFFFB0];
	v5 =	vadd.f32 v8, v7;
	[tilespmem:s25+$0xFFFFFF90] =	vst v9;
	s25 =	smov.u32 s29  }
0xb5: {  	v7 =	vld [tilespmem:s29+$0xFFFFFFC0];
	v0 =	vmov v3  }
0xb6: {  	v8 =	vld [tilespmem:s26+$0xFFFFFFC0];
	[tilespmem:s29+$0x0] =	vst v5  }
0xb7: {  	v2 =	vadd.f32 v2, v6;
	v6 =	vld [tilespmem:s29+$0xFFFFFFD0]  }
0xb8: {  	v9 =	vld [tilespmem:s26+$0xFFFFFFD0]  }
.Ltmp4:
0xb9: {  	[tilespmem:s29+$0xFFFFFFA0] =	vst v2;
	v2 =	vadd.f32 v1, v4;
	v1 =	vld [tilespmem:s29+$0xFFFFFFE0];
	(pc) =	sbr.rel @p0 .LBB2_7-.Ltmp4, $4  }
0xba: {  	v3 =	vld [tilespmem:s26+$0xFFFFFFE0]  }
0xbb: {  	[tilespmem:s29+$0xFFFFFFB0] =	vst v2;
	v7 =	vadd.f32 v8, v7;
	v2 =	vld [tilespmem:s29+$0xFFFFFFF0]  }
0xbc: {  	v5 =	vld [tilespmem:s26+$0xFFFFFFF0]  }
0xbd: {  	s29 =	sadd.s32 $0x80, s29;
	v4 =	vld [tilespmem:s25+$0xFFFFFF90];
	[tilespmem:s25+$0xFFFFFFC0] =	vst v7;
	v6 =	vadd.f32 v9, v6  }
0xbe: {  	_ =	sdelay $0x1  }
0xbf: {  	v1 =	vadd.f32 v3, v1  }
.Ltmp5:
0xc0: {  	s26 =	sadd.s32 s24, s8;
	[tilespmem:s25+$0xFFFFFFD0] =	vst v6;
	v2 =	vadd.f32 v5, v2;
	(pc) =	sbr.rel @p1 .LBB2_10-.Ltmp5, $4  }
0xc1: {  	s26 =	sshll.u32 s26, $0x1;
	[tilespmem:s25+$0xFFFFFFE0] =	vst v1;
	v0 =	vadd.f32 v0, v4  }
0xc2: {  	s26 =	sand.u32 $0x1FFFFFF0, s26;
	[tilespmem:s25+$0xFFFFFFF0] =	vst v2  }
0xc3: {  	s31 =	sadd.s32 s2, s26;
	[tilespmem:s25+$0xFFFFFF90] =	vst v0  }
0xc4: {  	[hbm4b:s31+s3] =	stream.linear.scatter [tilespmem:s15], [sflag:$0x4], $0x3E80, $0x38;
	[tilespmem:$0x14820] =	vst v63  }
.Ltmp6:
0xc5: {  	(pc) =	sbr.rel .LBB2_4-.Ltmp6, $4  }
0xc6: {  	s25 =	sadd.s32 $0xBB8, s24  }
0xc7: {  	[tilespmem:s15], [sflag:$0x2] =	stream.indirect.gather [hbm4b:s5+s12], $0x10, s25, s12, $0xb8;
	[tilespmem:$0x14820] =	vst v63  }
0xc8: {  	s31 =	sadd.s32 $0x32C8, s24;
	s23 =	sadd.s32 $0x1, s23  }
0xc9: {  	[tilespmem:s17], [sflag:$0x2] =	stream.indirect.gather [hbm4b:s5+s12], $0x10, s31, s12, $0xb8;
	[tilespmem:$0x14820] =	vst v63  }
.LBB2_11:
0xca: {  	_ =	sfence.sel $0x180000  }
0xcb: {  	[bflag:$0x0] =	sbarrier.arrive $0xFFFF  }
0xcc: {  	p0 =	sne.s32 s0, $0x0;
	_ =	strace $0x90000047  }
0xcd: {  	s0 =	sadd.s32 @!p0 $0x100000, s1;
	[bflag:$0x2] =	sbarrier.arrive $0xFFFF  }
0xce: {  	[sflag:s0] =	ssyncadd.tile.s32 @!p0 $0x1;
	_ =	shalt  }
.Lfunc_end2:
_tile_overlayer_lowered:
.L_overlay_start_2:
0xcf: {  	(tag) =	ssettag $0x2  }
0xd0: {  	s0 =	rddreg [dreg:$0x0];
	s2 =	stileid.u32  }
0xd1: {  	s1 =	rddreg [dreg:$0x1];
	p0 =	sne.s32 s2, $0x0  }
0xd2: {  	s3 =	rddreg [dreg:$0x2];
	[bflag:$0x3] =	sbarrier.arrive $0xFFFF;
	s2 =	simm.s32 @!p0 $0x1C05  }
0xd3: {  	[timem:s3], [sflag:s2] =	dma.local @!p0 [hbm:s0], s1  }
0xd4: {  	s0 =	simm.s32 @!p0 $0x5  }
0xd5: {  	_ =	swait.ge @!p0 [sflag:s0], s1  }
0xd6: {  	s1 =	ssub.s32 @!p0 $0x0, s1;
	[sflag:s0] =	ssyncset.done @!p0 $0x0  }
0xd7: {  	[sflag:s0] =	ssyncadd.s32 @!p0 s1  }
0xd8: {  	[bflag:$0x3] =	sbarrier.arrive $0xFFFF  }
0xd9: {  	_ =	shalt  }

</sc_bundles>
